<compile_context>
chip_gen: v7x
topology: tpu7x:2x2x1
jax: 0.10.2.dev20260603
libtpu: 0.0.44.dev20260713+nightly
codegen_flags: <defaults>
</compile_context>

<pallas_src>
import functools

import jax
import jax.numpy as jnp
from jax import lax
from jax.experimental import pallas as pl
from jax.experimental.pallas import tpu as pltpu
from jax.experimental.pallas import tpu_sc as plsc

N_FIELDS = 26
VOCAB = 100000
EMB = 16
N_CONT = 13
BATCH = 16384
OUT = 2
EMB_TOTAL = N_FIELDS * EMB
WINDOW = 128

ROWS_PER_FIELD = VOCAB * EMB // 128
ROWS_PER_FIELD_PAD = 12504
FIELD_STRIDE = ROWS_PER_FIELD_PAD * 8

CHUNKS = (2, 8, 8, 8)
WINDOWS_PER_FIELD = BATCH // WINDOW
N_WORKERS = 32


def _transpose_body(in_ref, i_ref, out_ref):
    x = in_ref[0]
    y = jnp.concatenate(
        [x[:, j * ROWS_PER_FIELD:(j + 1) * ROWS_PER_FIELD] for j in range(8)],
        axis=0)
    out_ref[0, :ROWS_PER_FIELD, :] = jax.lax.dot_general(
        y, i_ref[...], (((0,), (0,)), ((), ())),
        preferred_element_type=jnp.float32)


def _tc_transpose(tabT, ident, f0, nf):
    return pl.pallas_call(
        _transpose_body,
        grid=(nf,),
        in_specs=[
            pl.BlockSpec((1, EMB, VOCAB), lambda f: (f + f0, 0, 0)),
            pl.BlockSpec((128, 128), lambda f: (0, 0)),
        ],
        out_specs=pl.BlockSpec((1, ROWS_PER_FIELD_PAD, 128), lambda f: (f, 0, 0)),
        out_shape=jax.ShapeDtypeStruct((nf, ROWS_PER_FIELD_PAD, 128),
                                       jnp.float32),
    )(tabT, ident)


def _sc_gather(tables_flat, gidx2d, nf):
    mesh = plsc.VectorSubcoreMesh(core_axis_name="core", subcore_axis_name="subcore")
    n_windows = nf * WINDOWS_PER_FIELD
    w_per_tile = n_windows // N_WORKERS
    idx_per_tile = w_per_tile * WINDOW

    @functools.partial(
        pl.kernel,
        out_type=jax.ShapeDtypeStruct((BATCH, EMB * nf), jnp.float32),
        mesh=mesh,
        scratch_types=[
            pltpu.VMEM((w_per_tile, WINDOW), jnp.int32),
            pltpu.VMEM((idx_per_tile, EMB), jnp.float32),
            pltpu.SemaphoreType.DMA,
            pltpu.SemaphoreType.DMA,
        ],
        compiler_params=pltpu.CompilerParams(use_tc_tiling_on_sc=False),
    )
    def k(tab_hbm, idx_hbm, out_hbm, idx_v, rows_v, gsem, wsem):
        wid = lax.axis_index("subcore") * 2 + lax.axis_index("core")
        pltpu.sync_copy(idx_hbm.at[pl.ds(wid * w_per_tile, w_per_tile)], idx_v)

        @pl.loop(0, w_per_tile)
        def _fire(j):
            pltpu.async_copy(tab_hbm.at[idx_v.at[j]],
                             rows_v.at[pl.ds(j * WINDOW, WINDOW)], gsem)

        @pl.loop(0, w_per_tile)
        def _drain(j):
            pltpu.make_async_copy(tab_hbm.at[idx_v.at[j]],
                                  rows_v.at[pl.ds(j * WINDOW, WINDOW)], gsem).wait()
            w = wid * w_per_tile + j
            f = w // WINDOWS_PER_FIELD
            kk = w % WINDOWS_PER_FIELD
            pltpu.async_copy(
                rows_v.at[pl.ds(j * WINDOW, WINDOW)],
                out_hbm.at[pl.ds(kk * WINDOW, WINDOW), pl.ds(f * EMB, EMB)],
                wsem)

        @pl.loop(0, w_per_tile)
        def _drain_writes(j):
            w = wid * w_per_tile + j
            f = w // WINDOWS_PER_FIELD
            kk = w % WINDOWS_PER_FIELD
            pltpu.make_async_copy(
                rows_v.at[pl.ds(j * WINDOW, WINDOW)],
                out_hbm.at[pl.ds(kk * WINDOW, WINDOW), pl.ds(f * EMB, EMB)],
                wsem).wait()

    return k(tables_flat, gidx2d)


def _mlp_body(e0_ref, e1_ref, e2_ref, e3_ref, cT_ref, w0_ref, w1_ref, w2_ref,
              w3_ref, wc_ref, b1_ref, wh_ref, b2_ref, wo_ref, b3_ref, o_ref):
    h = jnp.dot(e0_ref[...], w0_ref[...], preferred_element_type=jnp.float32)
    h = h + jnp.dot(e1_ref[...], w1_ref[...], preferred_element_type=jnp.float32)
    h = h + jnp.dot(e2_ref[...], w2_ref[...], preferred_element_type=jnp.float32)
    h = h + jnp.dot(e3_ref[...], w3_ref[...], preferred_element_type=jnp.float32)
    h = h + jax.lax.dot_general(cT_ref[...], wc_ref[...], (((0,), (0,)), ((), ())),
                                preferred_element_type=jnp.float32)
    h = jnp.maximum(h + b1_ref[...], 0.0)
    h = jnp.dot(h, wh_ref[...], preferred_element_type=jnp.float32) + b2_ref[...]
    h = jnp.maximum(h, 0.0)
    o = jnp.dot(h, wo_ref[...], preferred_element_type=jnp.float32) + b3_ref[...]
    o_ref[...] = o.T


def _tc_mlp(es, x_cont, w1s, wc, b1, w2, b2, w3, b3):
    blk = 2048
    grid = BATCH // blk
    e_specs = [pl.BlockSpec((blk, 128), lambda i: (i, 0)) for _ in CHUNKS]
    w_specs = [pl.BlockSpec((128, 128), lambda i: (0, 0)) for _ in CHUNKS]
    return pl.pallas_call(
        _mlp_body,
        grid=(grid,),
        in_specs=e_specs + [pl.BlockSpec((N_CONT, blk), lambda i: (0, i))]
        + w_specs + [
            pl.BlockSpec((N_CONT, 128), lambda i: (0, 0)),
            pl.BlockSpec((1, 128), lambda i: (0, 0)),
            pl.BlockSpec((128, 64), lambda i: (0, 0)),
            pl.BlockSpec((1, 64), lambda i: (0, 0)),
            pl.BlockSpec((64, OUT), lambda i: (0, 0)),
            pl.BlockSpec((1, OUT), lambda i: (0, 0)),
        ],
        out_specs=pl.BlockSpec((OUT, blk), lambda i: (0, i)),
        out_shape=jax.ShapeDtypeStruct((OUT, BATCH), jnp.float32),
    )(*es, x_cont, *w1s, wc, b1, w2, b2, w3, b3)


def kernel(x_cat, x_cont, tables, W1, b1, W2, b2, W3, b3):
    xiT = x_cat.T.astype(jnp.int32)
    permT = (xiT % ROWS_PER_FIELD) * 8 + xiT // ROWS_PER_FIELD

    ident = jnp.eye(128, dtype=jnp.float32)
    tabT = jnp.transpose(tables, (0, 2, 1))

    es, w1s = [], []
    f0 = 0
    for nf in CHUNKS:
        loffs = jnp.arange(nf, dtype=jnp.int32) * FIELD_STRIDE
        gidx = permT[f0:f0 + nf] + loffs[:, None]
        w1c = W1[f0 * EMB:(f0 + nf) * EMB]
        if nf < 8:
            dummy = (jnp.arange(BATCH, dtype=jnp.int32) * 8) % (nf * FIELD_STRIDE)
            gidx = jnp.concatenate(
                [gidx, jnp.broadcast_to(dummy, (8 - nf, BATCH))], axis=0)
            w1c = jnp.pad(w1c, ((0, (8 - nf) * EMB), (0, 0)))
        gidx = gidx.reshape(8 * WINDOWS_PER_FIELD, WINDOW)
        t = _tc_transpose(tabT, ident, f0, nf)
        es.append(_sc_gather(t.reshape(nf * FIELD_STRIDE, EMB), gidx, 8))
        w1s.append(w1c)
        f0 += nf

    x_contT = x_cont.T
    out_t = _tc_mlp(
        es, x_contT, w1s, W1[EMB_TOTAL:],
        b1.reshape(1, 128), W2, b2.reshape(1, 64), W3, b3.reshape(1, OUT),
    )
    return out_t.T

# --- scband reference (transcript-rebuilt; emitter-appended) ---
"""Pipeline reference for scband-entity-embedding-net-21303037788479 (READ-ONLY COPY).

The authoritative reference and input builder live on the scoring server;
editing this copy changes nothing except your own understanding.
"""

import jax, jax.numpy as jnp
import numpy as np

N_FIELDS = 26
VOCAB = 100000
EMB = 16
N_CONT = 13
BATCH = 16384
OUT = 2
TOTAL = N_FIELDS * EMB + N_CONT


def setup_inputs(seed: int = 0) -> dict:
    key = jax.random.key(seed)
    ks = jax.random.split(key, 8)
    x_cat = jax.random.randint(ks[0], (BATCH, N_FIELDS), 0, VOCAB, dtype=jnp.int64) if jax.config.jax_enable_x64 else jax.random.randint(ks[0], (BATCH, N_FIELDS), 0, VOCAB, dtype=jnp.int32)
    x_cont = jax.random.normal(ks[1], (BATCH, N_CONT), dtype=jnp.float32)
    tables = jax.random.normal(ks[2], (N_FIELDS, VOCAB, EMB), dtype=jnp.float32) * 0.05
    W1 = jax.random.normal(ks[3], (TOTAL, 128), dtype=jnp.float32) * 0.05
    b1 = jnp.zeros((128,), dtype=jnp.float32)
    W2 = jax.random.normal(ks[4], (128, 64), dtype=jnp.float32) * 0.05
    b2 = jnp.zeros((64,), dtype=jnp.float32)
    W3 = jax.random.normal(ks[5], (64, OUT), dtype=jnp.float32) * 0.05
    b3 = jnp.zeros((OUT,), dtype=jnp.float32)
    return {"x_cat": x_cat, "x_cont": x_cont, "tables": tables,
            "W1": W1, "b1": b1, "W2": W2, "b2": b2, "W3": W3, "b3": b3}


def reference(x_cat, x_cont, tables, W1, b1, W2, b2, W3, b3):
    # per-field embedding lookup: tables[f][x_cat[:, f]] for each field f
    gathered = jax.vmap(lambda t, idx: jnp.take(t, idx, axis=0), in_axes=(0, 1), out_axes=1)(tables, x_cat)  # [B, F, E]
    embs = gathered.reshape(x_cat.shape[0], N_FIELDS * EMB)
    x = jnp.concatenate([embs, x_cont], axis=1)
    h = jax.nn.relu(x @ W1 + b1)
    # dropout is identity in eval mode
    h = jax.nn.relu(h @ W2 + b2)
    return h @ W3 + b3

if __name__ == "__main__":
    import jax
    _d = setup_inputs()
    print(jax.jit(kernel)(*tuple(_d.values())))

</pallas_src>

<mosaic_0001>
#map = affine_map<(d0, d1) -> (0, 0)>
module attributes {stable_mosaic.version = 14 : i64} {
  func.func @k(%arg0: i32, %arg1: i32, %arg2: memref<200064x16xf32, #tpu.memory_space<hbm>>, %arg3: memref<1024x128xi32, #tpu.memory_space<hbm>>, %arg4: memref<16384x128xf32, #tpu.memory_space<hbm>>, %arg5: memref<32x128xi32, #tpu.memory_space<vmem>>, %arg6: memref<4096x16xf32, #tpu.memory_space<vmem>>, %arg7: memref<!tpu.dma_semaphore, #tpu.memory_space<semaphore_mem>>, %arg8: memref<!tpu.dma_semaphore, #tpu.memory_space<semaphore_mem>>) attributes {dimension_semantics = [#tpu.dimension_semantics<core_parallel>, #tpu.dimension_semantics<subcore_parallel>], iteration_bounds = array<i64: 2, 16>, scalar_prefetch = 0 : i64, scratch_operands = 4 : i64, tpu.core_type = #tpu.core_type<sc_vector_subcore>, window_params = [{transform_indices = #map}, {transform_indices = #map}, {transform_indices = #map}]} {
    %mul3A = arith.constant 2 : i32
    %mul3A_0 = arith.muli %arg1, %mul3A : i32
    %add3A = arith.addi %mul3A_0, %arg0 : i32
    %mul3A_1 = arith.constant 32 : i32
    %mul3A_2 = arith.muli %add3A, %mul3A_1 : i32
    "tpu.region"() ({
      %run_scoped3A = tpu.sem_alloc : memref<!tpu.dma_semaphore, #tpu.memory_space<semaphore_mem>>
      %dma_start3A = arith.constant 0 : i32
      %dma_start3A_17 = tpu.memref_slice %arg3[%mul3A_2, %dma_start3A] : memref<1024x128xi32, #tpu.memory_space<hbm>> -> memref<32x128xi32, #tpu.memory_space<hbm>>
      %dma_start3A_18 = arith.constant 0 : i32
      %dma_start3A_19 = tpu.memref_slice %arg3[%mul3A_2, %dma_start3A_18] : memref<1024x128xi32, #tpu.memory_space<hbm>> -> memref<32x128xi32, #tpu.memory_space<hbm>>
      tpu.enqueue_dma source(%dma_start3A_19 : memref<32x128xi32, #tpu.memory_space<hbm>>) target(%arg5 : memref<32x128xi32, #tpu.memory_space<vmem>>) target_semaphore(%run_scoped3A : memref<!tpu.dma_semaphore, #tpu.memory_space<semaphore_mem>>)
      %dma_wait3A = arith.constant 0 : i32
      %dma_wait3A_20 = tpu.memref_slice %arg3[%mul3A_2, %dma_wait3A] : memref<1024x128xi32, #tpu.memory_space<hbm>> -> memref<32x128xi32, #tpu.memory_space<hbm>>
      %dma_wait3A_21 = arith.constant 0 : i32
      %dma_wait3A_22 = tpu.memref_slice %arg3[%mul3A_2, %dma_wait3A_21] : memref<1024x128xi32, #tpu.memory_space<hbm>> -> memref<32x128xi32, #tpu.memory_space<hbm>>
      tpu.wait_dma2 semaphore(%run_scoped3A : memref<!tpu.dma_semaphore, #tpu.memory_space<semaphore_mem>>) src(%dma_wait3A_22 : memref<32x128xi32, #tpu.memory_space<hbm>>) dst(%arg5 : memref<32x128xi32, #tpu.memory_space<vmem>>)
      tpu.yield
    }) : () -> ()
    %scan3A = arith.constant 0 : i32
    %scan3A_3 = arith.constant 32 : i32
    %scan3A_4 = arith.addi %scan3A, %scan3A_3 : i32
    %scan3A_5 = arith.constant 1 : i32
    scf.for %scan3A_17 = %scan3A to %scan3A_4 step %scan3A_5  : i32 {
      %mul3A_18 = arith.constant 1 : i32
      %mul3A_19 = arith.muli %scan3A_17, %mul3A_18 : i32
      %add3A_20 = arith.constant 0 : i32
      %add3A_21 = arith.addi %add3A_20, %mul3A_19 : i32
      %mul3A_22 = arith.constant 128 : i32
      %mul3A_23 = arith.muli %add3A_21, %mul3A_22 : i32
      %dma_start3A = arith.constant 0 : i32
      %dma_start3A_24 = tpu.memref_slice %arg6[%mul3A_23, %dma_start3A] : memref<4096x16xf32, #tpu.memory_space<vmem>> -> memref<128x16xf32, #tpu.memory_space<vmem>>
      %dma_start3A_25 = arith.constant 0 : i32
      %dma_start3A_26 = tpu.memref_slice %arg5[%add3A_21, %dma_start3A_25] : memref<32x128xi32, #tpu.memory_space<vmem>> -> memref<1x128xi32, #tpu.memory_space<vmem>>
      %dma_start3A_27 = tpu.memref_squeeze %dma_start3A_26 : memref<1x128xi32, #tpu.memory_space<vmem>> -> memref<128xi32, #tpu.memory_space<vmem>>
      %dma_start3A_28 = arith.constant 0 : i32
      %dma_start3A_29 = arith.constant 0 : i32
      %dma_start3A_30 = tpu.memref_slice %arg2[%dma_start3A_28, %dma_start3A_29] : memref<200064x16xf32, #tpu.memory_space<hbm>> -> memref<200064x16xf32, #tpu.memory_space<hbm>>
      tpu.enqueue_indirect_dma source(%dma_start3A_30 : memref<200064x16xf32, #tpu.memory_space<hbm>>) target(%dma_start3A_24 : memref<128x16xf32, #tpu.memory_space<vmem>>) offsets(%dma_start3A_27 : memref<128xi32, #tpu.memory_space<vmem>>) semaphore(%arg7 : memref<!tpu.dma_semaphore, #tpu.memory_space<semaphore_mem>>)
    }
    %scan3A_6 = arith.constant 32 : i32
    %scan3A_7 = arith.constant 0 : i32
    %scan3A_8 = arith.constant 32 : i32
    %scan3A_9 = arith.addi %scan3A_7, %scan3A_8 : i32
    %scan3A_10 = arith.constant 1 : i32
    scf.for %scan3A_17 = %scan3A_7 to %scan3A_9 step %scan3A_10  : i32 {
      %mul3A_18 = arith.constant 1 : i32
      %mul3A_19 = arith.muli %scan3A_17, %mul3A_18 : i32
      %add3A_20 = arith.constant 0 : i32
      %add3A_21 = arith.addi %add3A_20, %mul3A_19 : i32
      %mul3A_22 = arith.constant 128 : i32
      %mul3A_23 = arith.muli %add3A_21, %mul3A_22 : i32
      %dma_wait3A = arith.constant 0 : i32
      %dma_wait3A_24 = tpu.memref_slice %arg6[%mul3A_23, %dma_wait3A] : memref<4096x16xf32, #tpu.memory_space<vmem>> -> memref<128x16xf32, #tpu.memory_space<vmem>>
      %dma_wait3A_25 = arith.constant 0 : i32
      %dma_wait3A_26 = tpu.memref_slice %arg5[%add3A_21, %dma_wait3A_25] : memref<32x128xi32, #tpu.memory_space<vmem>> -> memref<1x128xi32, #tpu.memory_space<vmem>>
      %dma_wait3A_27 = tpu.memref_squeeze %dma_wait3A_26 : memref<1x128xi32, #tpu.memory_space<vmem>> -> memref<128xi32, #tpu.memory_space<vmem>>
      %dma_wait3A_28 = arith.constant 0 : i32
      %dma_wait3A_29 = arith.constant 0 : i32
      %dma_wait3A_30 = tpu.memref_slice %arg2[%dma_wait3A_28, %dma_wait3A_29] : memref<200064x16xf32, #tpu.memory_space<hbm>> -> memref<200064x16xf32, #tpu.memory_space<hbm>>
      tpu.wait_indirect_dma semaphore(%arg7 : memref<!tpu.dma_semaphore, #tpu.memory_space<semaphore_mem>>) src(%dma_wait3A_30 : memref<200064x16xf32, #tpu.memory_space<hbm>>) dst(%dma_wait3A_24 : memref<128x16xf32, #tpu.memory_space<vmem>>)
      %mul3A_31 = arith.constant 32 : i32
      %mul3A_32 = arith.muli %add3A, %mul3A_31 : i32
      %add3A_33 = arith.addi %mul3A_32, %add3A_21 : i32
      %jit3A = arith.constant 128 : i32
      %div3A = arith.divsi %add3A_33, %jit3A : i32
      %sign3A = arith.constant 0 : i32
      %sign3A_34 = arith.cmpi sgt, %add3A_33, %sign3A : i32
      %sign3A_35 = arith.extui %sign3A_34 : i1 to i32
      %sign3A_36 = arith.constant 0 : i32
      %sign3A_37 = arith.cmpi slt, %add3A_33, %sign3A_36 : i32
      %sign3A_38 = arith.extui %sign3A_37 : i1 to i32
      %sign3A_39 = arith.subi %sign3A_35, %sign3A_38 : i32
      %sign3A_40 = arith.constant 0 : i32
      %sign3A_41 = arith.cmpi sgt, %jit3A, %sign3A_40 : i32
      %sign3A_42 = arith.extui %sign3A_41 : i1 to i32
      %sign3A_43 = arith.constant 0 : i32
      %sign3A_44 = arith.cmpi slt, %jit3A, %sign3A_43 : i32
      %sign3A_45 = arith.extui %sign3A_44 : i1 to i32
      %sign3A_46 = arith.subi %sign3A_42, %sign3A_45 : i32
      %ne3A = arith.cmpi ne, %sign3A_39, %sign3A_46 : i32
      %rem3A = arith.remsi %add3A_33, %jit3A : i32
      %ne3A_47 = arith.constant 0 : i32
      %ne3A_48 = arith.cmpi ne, %rem3A, %ne3A_47 : i32
      %and3A = arith.andi %ne3A, %ne3A_48 : i1
      %sub3A = arith.constant 1 : i32
      %sub3A_49 = arith.subi %div3A, %sub3A : i32
      %select_n3A = arith.select %and3A, %sub3A_49, %div3A : i32
      %jit3A_50 = arith.constant 128 : i32
      %eq3A = arith.constant 0 : i32
      %eq3A_51 = arith.cmpi eq, %jit3A_50, %eq3A : i32
      %jit3A_52 = arith.constant 1 : i32
      %select_n3A_53 = arith.select %eq3A_51, %jit3A_52, %jit3A_50 : i32
      %rem3A_54 = arith.remsi %add3A_33, %select_n3A_53 : i32
      %ne3A_55 = arith.constant 0 : i32
      %ne3A_56 = arith.cmpi ne, %rem3A_54, %ne3A_55 : i32
      %lt3A = arith.constant 0 : i32
      %lt3A_57 = arith.cmpi slt, %rem3A_54, %lt3A : i32
      %lt3A_58 = arith.constant 0 : i32
      %lt3A_59 = arith.cmpi slt, %select_n3A_53, %lt3A_58 : i32
      %ne3A_60 = arith.xori %lt3A_57, %lt3A_59 : i1
      %and3A_61 = arith.andi %ne3A_60, %ne3A_56 : i1
      %add3A_62 = arith.addi %rem3A_54, %select_n3A_53 : i32
      %select_n3A_63 = arith.select %and3A_61, %add3A_62, %rem3A_54 : i32
      %mul3A_64 = arith.constant 128 : i32
      %mul3A_65 = arith.muli %add3A_21, %mul3A_64 : i32
      %mul3A_66 = arith.constant 128 : i32
      %mul3A_67 = arith.muli %select_n3A_63, %mul3A_66 : i32
      %mul3A_68 = arith.constant 16 : i32
      %mul3A_69 = arith.muli %select_n3A, %mul3A_68 : i32
      %dma_start3A = arith.constant 0 : i32
      %dma_start3A_70 = tpu.memref_slice %arg6[%mul3A_65, %dma_start3A] : memref<4096x16xf32, #tpu.memory_space<vmem>> -> memref<128x16xf32, #tpu.memory_space<vmem>>
      %dma_start3A_71 = tpu.memref_slice %arg4[%mul3A_67, %mul3A_69] : memref<16384x128xf32, #tpu.memory_space<hbm>> -> memref<128x16xf32, #tpu.memory_space<hbm>>
      %dma_start3A_72 = tpu.memref_slice %arg4[%mul3A_67, %mul3A_69] : memref<16384x128xf32, #tpu.memory_space<hbm>> -> memref<128x16xf32, #tpu.memory_space<hbm>>
      %dma_start3A_73 = arith.constant 0 : i32
      %dma_start3A_74 = tpu.memref_slice %arg6[%mul3A_65, %dma_start3A_73] : memref<4096x16xf32, #tpu.memory_space<vmem>> -> memref<128x16xf32, #tpu.memory_space<vmem>>
      tpu.enqueue_dma source(%dma_start3A_74 : memref<128x16xf32, #tpu.memory_space<vmem>>) target(%dma_start3A_72 : memref<128x16xf32, #tpu.memory_space<hbm>>) target_semaphore(%arg8 : memref<!tpu.dma_semaphore, #tpu.memory_space<semaphore_mem>>)
    }
    %scan3A_11 = arith.constant 32 : i32
    %scan3A_12 = arith.constant 0 : i32
    %scan3A_13 = arith.constant 32 : i32
    %scan3A_14 = arith.addi %scan3A_12, %scan3A_13 : i32
    %scan3A_15 = arith.constant 1 : i32
    scf.for %scan3A_17 = %scan3A_12 to %scan3A_14 step %scan3A_15  : i32 {
      %mul3A_18 = arith.constant 1 : i32
      %mul3A_19 = arith.muli %scan3A_17, %mul3A_18 : i32
      %add3A_20 = arith.constant 0 : i32
      %add3A_21 = arith.addi %add3A_20, %mul3A_19 : i32
      %mul3A_22 = arith.constant 32 : i32
      %mul3A_23 = arith.muli %add3A, %mul3A_22 : i32
      %add3A_24 = arith.addi %mul3A_23, %add3A_21 : i32
      %jit3A = arith.constant 128 : i32
      %div3A = arith.divsi %add3A_24, %jit3A : i32
      %sign3A = arith.constant 0 : i32
      %sign3A_25 = arith.cmpi sgt, %add3A_24, %sign3A : i32
      %sign3A_26 = arith.extui %sign3A_25 : i1 to i32
      %sign3A_27 = arith.constant 0 : i32
      %sign3A_28 = arith.cmpi slt, %add3A_24, %sign3A_27 : i32
      %sign3A_29 = arith.extui %sign3A_28 : i1 to i32
      %sign3A_30 = arith.subi %sign3A_26, %sign3A_29 : i32
      %sign3A_31 = arith.constant 0 : i32
      %sign3A_32 = arith.cmpi sgt, %jit3A, %sign3A_31 : i32
      %sign3A_33 = arith.extui %sign3A_32 : i1 to i32
      %sign3A_34 = arith.constant 0 : i32
      %sign3A_35 = arith.cmpi slt, %jit3A, %sign3A_34 : i32
      %sign3A_36 = arith.extui %sign3A_35 : i1 to i32
      %sign3A_37 = arith.subi %sign3A_33, %sign3A_36 : i32
      %ne3A = arith.cmpi ne, %sign3A_30, %sign3A_37 : i32
      %rem3A = arith.remsi %add3A_24, %jit3A : i32
      %ne3A_38 = arith.constant 0 : i32
      %ne3A_39 = arith.cmpi ne, %rem3A, %ne3A_38 : i32
      %and3A = arith.andi %ne3A, %ne3A_39 : i1
      %sub3A = arith.constant 1 : i32
      %sub3A_40 = arith.subi %div3A, %sub3A : i32
      %select_n3A = arith.select %and3A, %sub3A_40, %div3A : i32
      %jit3A_41 = arith.constant 128 : i32
      %eq3A = arith.constant 0 : i32
      %eq3A_42 = arith.cmpi eq, %jit3A_41, %eq3A : i32
      %jit3A_43 = arith.constant 1 : i32
      %select_n3A_44 = arith.select %eq3A_42, %jit3A_43, %jit3A_41 : i32
      %rem3A_45 = arith.remsi %add3A_24, %select_n3A_44 : i32
      %ne3A_46 = arith.constant 0 : i32
      %ne3A_47 = arith.cmpi ne, %rem3A_45, %ne3A_46 : i32
      %lt3A = arith.constant 0 : i32
      %lt3A_48 = arith.cmpi slt, %rem3A_45, %lt3A : i32
      %lt3A_49 = arith.constant 0 : i32
      %lt3A_50 = arith.cmpi slt, %select_n3A_44, %lt3A_49 : i32
      %ne3A_51 = arith.xori %lt3A_48, %lt3A_50 : i1
      %and3A_52 = arith.andi %ne3A_51, %ne3A_47 : i1
      %add3A_53 = arith.addi %rem3A_45, %select_n3A_44 : i32
      %select_n3A_54 = arith.select %and3A_52, %add3A_53, %rem3A_45 : i32
      %mul3A_55 = arith.constant 128 : i32
      %mul3A_56 = arith.muli %add3A_21, %mul3A_55 : i32
      %mul3A_57 = arith.constant 128 : i32
      %mul3A_58 = arith.muli %select_n3A_54, %mul3A_57 : i32
      %mul3A_59 = arith.constant 16 : i32
      %mul3A_60 = arith.muli %select_n3A, %mul3A_59 : i32
      %dma_wait3A = arith.constant 0 : i32
      %dma_wait3A_61 = tpu.memref_slice %arg6[%mul3A_56, %dma_wait3A] : memref<4096x16xf32, #tpu.memory_space<vmem>> -> memref<128x16xf32, #tpu.memory_space<vmem>>
      %dma_wait3A_62 = tpu.memref_slice %arg4[%mul3A_58, %mul3A_60] : memref<16384x128xf32, #tpu.memory_space<hbm>> -> memref<128x16xf32, #tpu.memory_space<hbm>>
      %dma_wait3A_63 = tpu.memref_slice %arg4[%mul3A_58, %mul3A_60] : memref<16384x128xf32, #tpu.memory_space<hbm>> -> memref<128x16xf32, #tpu.memory_space<hbm>>
      %dma_wait3A_64 = arith.constant 0 : i32
      %dma_wait3A_65 = tpu.memref_slice %arg6[%mul3A_56, %dma_wait3A_64] : memref<4096x16xf32, #tpu.memory_space<vmem>> -> memref<128x16xf32, #tpu.memory_space<vmem>>
      tpu.wait_dma2 semaphore(%arg8 : memref<!tpu.dma_semaphore, #tpu.memory_space<semaphore_mem>>) src(%dma_wait3A_65 : memref<128x16xf32, #tpu.memory_space<vmem>>) dst(%dma_wait3A_63 : memref<128x16xf32, #tpu.memory_space<hbm>>)
    }
    %scan3A_16 = arith.constant 32 : i32
    return
  }
}

#map = affine_map<(d0, d1) -> (0, 0)>
module attributes {stable_mosaic.version = 14 : i64} {
  func.func @k(%arg0: i32, %arg1: i32, %arg2: memref<800256x16xf32, #tpu.memory_space<hbm>>, %arg3: memref<1024x128xi32, #tpu.memory_space<hbm>>, %arg4: memref<16384x128xf32, #tpu.memory_space<hbm>>, %arg5: memref<32x128xi32, #tpu.memory_space<vmem>>, %arg6: memref<4096x16xf32, #tpu.memory_space<vmem>>, %arg7: memref<!tpu.dma_semaphore, #tpu.memory_space<semaphore_mem>>, %arg8: memref<!tpu.dma_semaphore, #tpu.memory_space<semaphore_mem>>) attributes {dimension_semantics = [#tpu.dimension_semantics<core_parallel>, #tpu.dimension_semantics<subcore_parallel>], iteration_bounds = array<i64: 2, 16>, scalar_prefetch = 0 : i64, scratch_operands = 4 : i64, tpu.core_type = #tpu.core_type<sc_vector_subcore>, window_params = [{transform_indices = #map}, {transform_indices = #map}, {transform_indices = #map}]} {
    %mul3A = arith.constant 2 : i32
    %mul3A_0 = arith.muli %arg1, %mul3A : i32
    %add3A = arith.addi %mul3A_0, %arg0 : i32
    %mul3A_1 = arith.constant 32 : i32
    %mul3A_2 = arith.muli %add3A, %mul3A_1 : i32
    "tpu.region"() ({
      %run_scoped3A = tpu.sem_alloc : memref<!tpu.dma_semaphore, #tpu.memory_space<semaphore_mem>>
      %dma_start3A = arith.constant 0 : i32
      %dma_start3A_17 = tpu.memref_slice %arg3[%mul3A_2, %dma_start3A] : memref<1024x128xi32, #tpu.memory_space<hbm>> -> memref<32x128xi32, #tpu.memory_space<hbm>>
      %dma_start3A_18 = arith.constant 0 : i32
      %dma_start3A_19 = tpu.memref_slice %arg3[%mul3A_2, %dma_start3A_18] : memref<1024x128xi32, #tpu.memory_space<hbm>> -> memref<32x128xi32, #tpu.memory_space<hbm>>
      tpu.enqueue_dma source(%dma_start3A_19 : memref<32x128xi32, #tpu.memory_space<hbm>>) target(%arg5 : memref<32x128xi32, #tpu.memory_space<vmem>>) target_semaphore(%run_scoped3A : memref<!tpu.dma_semaphore, #tpu.memory_space<semaphore_mem>>)
      %dma_wait3A = arith.constant 0 : i32
      %dma_wait3A_20 = tpu.memref_slice %arg3[%mul3A_2, %dma_wait3A] : memref<1024x128xi32, #tpu.memory_space<hbm>> -> memref<32x128xi32, #tpu.memory_space<hbm>>
      %dma_wait3A_21 = arith.constant 0 : i32
      %dma_wait3A_22 = tpu.memref_slice %arg3[%mul3A_2, %dma_wait3A_21] : memref<1024x128xi32, #tpu.memory_space<hbm>> -> memref<32x128xi32, #tpu.memory_space<hbm>>
      tpu.wait_dma2 semaphore(%run_scoped3A : memref<!tpu.dma_semaphore, #tpu.memory_space<semaphore_mem>>) src(%dma_wait3A_22 : memref<32x128xi32, #tpu.memory_space<hbm>>) dst(%arg5 : memref<32x128xi32, #tpu.memory_space<vmem>>)
      tpu.yield
    }) : () -> ()
    %scan3A = arith.constant 0 : i32
    %scan3A_3 = arith.constant 32 : i32
    %scan3A_4 = arith.addi %scan3A, %scan3A_3 : i32
    %scan3A_5 = arith.constant 1 : i32
    scf.for %scan3A_17 = %scan3A to %scan3A_4 step %scan3A_5  : i32 {
      %mul3A_18 = arith.constant 1 : i32
      %mul3A_19 = arith.muli %scan3A_17, %mul3A_18 : i32
      %add3A_20 = arith.constant 0 : i32
      %add3A_21 = arith.addi %add3A_20, %mul3A_19 : i32
      %mul3A_22 = arith.constant 128 : i32
      %mul3A_23 = arith.muli %add3A_21, %mul3A_22 : i32
      %dma_start3A = arith.constant 0 : i32
      %dma_start3A_24 = tpu.memref_slice %arg6[%mul3A_23, %dma_start3A] : memref<4096x16xf32, #tpu.memory_space<vmem>> -> memref<128x16xf32, #tpu.memory_space<vmem>>
      %dma_start3A_25 = arith.constant 0 : i32
      %dma_start3A_26 = tpu.memref_slice %arg5[%add3A_21, %dma_start3A_25] : memref<32x128xi32, #tpu.memory_space<vmem>> -> memref<1x128xi32, #tpu.memory_space<vmem>>
      %dma_start3A_27 = tpu.memref_squeeze %dma_start3A_26 : memref<1x128xi32, #tpu.memory_space<vmem>> -> memref<128xi32, #tpu.memory_space<vmem>>
      %dma_start3A_28 = arith.constant 0 : i32
      %dma_start3A_29 = arith.constant 0 : i32
      %dma_start3A_30 = tpu.memref_slice %arg2[%dma_start3A_28, %dma_start3A_29] : memref<800256x16xf32, #tpu.memory_space<hbm>> -> memref<800256x16xf32, #tpu.memory_space<hbm>>
      tpu.enqueue_indirect_dma source(%dma_start3A_30 : memref<800256x16xf32, #tpu.memory_space<hbm>>) target(%dma_start3A_24 : memref<128x16xf32, #tpu.memory_space<vmem>>) offsets(%dma_start3A_27 : memref<128xi32, #tpu.memory_space<vmem>>) semaphore(%arg7 : memref<!tpu.dma_semaphore, #tpu.memory_space<semaphore_mem>>)
    }
    %scan3A_6 = arith.constant 32 : i32
    %scan3A_7 = arith.constant 0 : i32
    %scan3A_8 = arith.constant 32 : i32
    %scan3A_9 = arith.addi %scan3A_7, %scan3A_8 : i32
    %scan3A_10 = arith.constant 1 : i32
    scf.for %scan3A_17 = %scan3A_7 to %scan3A_9 step %scan3A_10  : i32 {
      %mul3A_18 = arith.constant 1 : i32
      %mul3A_19 = arith.muli %scan3A_17, %mul3A_18 : i32
      %add3A_20 = arith.constant 0 : i32
      %add3A_21 = arith.addi %add3A_20, %mul3A_19 : i32
      %mul3A_22 = arith.constant 128 : i32
      %mul3A_23 = arith.muli %add3A_21, %mul3A_22 : i32
      %dma_wait3A = arith.constant 0 : i32
      %dma_wait3A_24 = tpu.memref_slice %arg6[%mul3A_23, %dma_wait3A] : memref<4096x16xf32, #tpu.memory_space<vmem>> -> memref<128x16xf32, #tpu.memory_space<vmem>>
      %dma_wait3A_25 = arith.constant 0 : i32
      %dma_wait3A_26 = tpu.memref_slice %arg5[%add3A_21, %dma_wait3A_25] : memref<32x128xi32, #tpu.memory_space<vmem>> -> memref<1x128xi32, #tpu.memory_space<vmem>>
      %dma_wait3A_27 = tpu.memref_squeeze %dma_wait3A_26 : memref<1x128xi32, #tpu.memory_space<vmem>> -> memref<128xi32, #tpu.memory_space<vmem>>
      %dma_wait3A_28 = arith.constant 0 : i32
      %dma_wait3A_29 = arith.constant 0 : i32
      %dma_wait3A_30 = tpu.memref_slice %arg2[%dma_wait3A_28, %dma_wait3A_29] : memref<800256x16xf32, #tpu.memory_space<hbm>> -> memref<800256x16xf32, #tpu.memory_space<hbm>>
      tpu.wait_indirect_dma semaphore(%arg7 : memref<!tpu.dma_semaphore, #tpu.memory_space<semaphore_mem>>) src(%dma_wait3A_30 : memref<800256x16xf32, #tpu.memory_space<hbm>>) dst(%dma_wait3A_24 : memref<128x16xf32, #tpu.memory_space<vmem>>)
      %mul3A_31 = arith.constant 32 : i32
      %mul3A_32 = arith.muli %add3A, %mul3A_31 : i32
      %add3A_33 = arith.addi %mul3A_32, %add3A_21 : i32
      %jit3A = arith.constant 128 : i32
      %div3A = arith.divsi %add3A_33, %jit3A : i32
      %sign3A = arith.constant 0 : i32
      %sign3A_34 = arith.cmpi sgt, %add3A_33, %sign3A : i32
      %sign3A_35 = arith.extui %sign3A_34 : i1 to i32
      %sign3A_36 = arith.constant 0 : i32
      %sign3A_37 = arith.cmpi slt, %add3A_33, %sign3A_36 : i32
      %sign3A_38 = arith.extui %sign3A_37 : i1 to i32
      %sign3A_39 = arith.subi %sign3A_35, %sign3A_38 : i32
      %sign3A_40 = arith.constant 0 : i32
      %sign3A_41 = arith.cmpi sgt, %jit3A, %sign3A_40 : i32
      %sign3A_42 = arith.extui %sign3A_41 : i1 to i32
      %sign3A_43 = arith.constant 0 : i32
      %sign3A_44 = arith.cmpi slt, %jit3A, %sign3A_43 : i32
      %sign3A_45 = arith.extui %sign3A_44 : i1 to i32
      %sign3A_46 = arith.subi %sign3A_42, %sign3A_45 : i32
      %ne3A = arith.cmpi ne, %sign3A_39, %sign3A_46 : i32
      %rem3A = arith.remsi %add3A_33, %jit3A : i32
      %ne3A_47 = arith.constant 0 : i32
      %ne3A_48 = arith.cmpi ne, %rem3A, %ne3A_47 : i32
      %and3A = arith.andi %ne3A, %ne3A_48 : i1
      %sub3A = arith.constant 1 : i32
      %sub3A_49 = arith.subi %div3A, %sub3A : i32
      %select_n3A = arith.select %and3A, %sub3A_49, %div3A : i32
      %jit3A_50 = arith.constant 128 : i32
      %eq3A = arith.constant 0 : i32
      %eq3A_51 = arith.cmpi eq, %jit3A_50, %eq3A : i32
      %jit3A_52 = arith.constant 1 : i32
      %select_n3A_53 = arith.select %eq3A_51, %jit3A_52, %jit3A_50 : i32
      %rem3A_54 = arith.remsi %add3A_33, %select_n3A_53 : i32
      %ne3A_55 = arith.constant 0 : i32
      %ne3A_56 = arith.cmpi ne, %rem3A_54, %ne3A_55 : i32
      %lt3A = arith.constant 0 : i32
      %lt3A_57 = arith.cmpi slt, %rem3A_54, %lt3A : i32
      %lt3A_58 = arith.constant 0 : i32
      %lt3A_59 = arith.cmpi slt, %select_n3A_53, %lt3A_58 : i32
      %ne3A_60 = arith.xori %lt3A_57, %lt3A_59 : i1
      %and3A_61 = arith.andi %ne3A_60, %ne3A_56 : i1
      %add3A_62 = arith.addi %rem3A_54, %select_n3A_53 : i32
      %select_n3A_63 = arith.select %and3A_61, %add3A_62, %rem3A_54 : i32
      %mul3A_64 = arith.constant 128 : i32
      %mul3A_65 = arith.muli %add3A_21, %mul3A_64 : i32
      %mul3A_66 = arith.constant 128 : i32
      %mul3A_67 = arith.muli %select_n3A_63, %mul3A_66 : i32
      %mul3A_68 = arith.constant 16 : i32
      %mul3A_69 = arith.muli %select_n3A, %mul3A_68 : i32
      %dma_start3A = arith.constant 0 : i32
      %dma_start3A_70 = tpu.memref_slice %arg6[%mul3A_65, %dma_start3A] : memref<4096x16xf32, #tpu.memory_space<vmem>> -> memref<128x16xf32, #tpu.memory_space<vmem>>
      %dma_start3A_71 = tpu.memref_slice %arg4[%mul3A_67, %mul3A_69] : memref<16384x128xf32, #tpu.memory_space<hbm>> -> memref<128x16xf32, #tpu.memory_space<hbm>>
      %dma_start3A_72 = tpu.memref_slice %arg4[%mul3A_67, %mul3A_69] : memref<16384x128xf32, #tpu.memory_space<hbm>> -> memref<128x16xf32, #tpu.memory_space<hbm>>
      %dma_start3A_73 = arith.constant 0 : i32
      %dma_start3A_74 = tpu.memref_slice %arg6[%mul3A_65, %dma_start3A_73] : memref<4096x16xf32, #tpu.memory_space<vmem>> -> memref<128x16xf32, #tpu.memory_space<vmem>>
      tpu.enqueue_dma source(%dma_start3A_74 : memref<128x16xf32, #tpu.memory_space<vmem>>) target(%dma_start3A_72 : memref<128x16xf32, #tpu.memory_space<hbm>>) target_semaphore(%arg8 : memref<!tpu.dma_semaphore, #tpu.memory_space<semaphore_mem>>)
    }
    %scan3A_11 = arith.constant 32 : i32
    %scan3A_12 = arith.constant 0 : i32
    %scan3A_13 = arith.constant 32 : i32
    %scan3A_14 = arith.addi %scan3A_12, %scan3A_13 : i32
    %scan3A_15 = arith.constant 1 : i32
    scf.for %scan3A_17 = %scan3A_12 to %scan3A_14 step %scan3A_15  : i32 {
      %mul3A_18 = arith.constant 1 : i32
      %mul3A_19 = arith.muli %scan3A_17, %mul3A_18 : i32
      %add3A_20 = arith.constant 0 : i32
      %add3A_21 = arith.addi %add3A_20, %mul3A_19 : i32
      %mul3A_22 = arith.constant 32 : i32
      %mul3A_23 = arith.muli %add3A, %mul3A_22 : i32
      %add3A_24 = arith.addi %mul3A_23, %add3A_21 : i32
      %jit3A = arith.constant 128 : i32
      %div3A = arith.divsi %add3A_24, %jit3A : i32
      %sign3A = arith.constant 0 : i32
      %sign3A_25 = arith.cmpi sgt, %add3A_24, %sign3A : i32
      %sign3A_26 = arith.extui %sign3A_25 : i1 to i32
      %sign3A_27 = arith.constant 0 : i32
      %sign3A_28 = arith.cmpi slt, %add3A_24, %sign3A_27 : i32
      %sign3A_29 = arith.extui %sign3A_28 : i1 to i32
      %sign3A_30 = arith.subi %sign3A_26, %sign3A_29 : i32
      %sign3A_31 = arith.constant 0 : i32
      %sign3A_32 = arith.cmpi sgt, %jit3A, %sign3A_31 : i32
      %sign3A_33 = arith.extui %sign3A_32 : i1 to i32
      %sign3A_34 = arith.constant 0 : i32
      %sign3A_35 = arith.cmpi slt, %jit3A, %sign3A_34 : i32
      %sign3A_36 = arith.extui %sign3A_35 : i1 to i32
      %sign3A_37 = arith.subi %sign3A_33, %sign3A_36 : i32
      %ne3A = arith.cmpi ne, %sign3A_30, %sign3A_37 : i32
      %rem3A = arith.remsi %add3A_24, %jit3A : i32
      %ne3A_38 = arith.constant 0 : i32
      %ne3A_39 = arith.cmpi ne, %rem3A, %ne3A_38 : i32
      %and3A = arith.andi %ne3A, %ne3A_39 : i1
      %sub3A = arith.constant 1 : i32
      %sub3A_40 = arith.subi %div3A, %sub3A : i32
      %select_n3A = arith.select %and3A, %sub3A_40, %div3A : i32
      %jit3A_41 = arith.constant 128 : i32
      %eq3A = arith.constant 0 : i32
      %eq3A_42 = arith.cmpi eq, %jit3A_41, %eq3A : i32
      %jit3A_43 = arith.constant 1 : i32
      %select_n3A_44 = arith.select %eq3A_42, %jit3A_43, %jit3A_41 : i32
      %rem3A_45 = arith.remsi %add3A_24, %select_n3A_44 : i32
      %ne3A_46 = arith.constant 0 : i32
      %ne3A_47 = arith.cmpi ne, %rem3A_45, %ne3A_46 : i32
      %lt3A = arith.constant 0 : i32
      %lt3A_48 = arith.cmpi slt, %rem3A_45, %lt3A : i32
      %lt3A_49 = arith.constant 0 : i32
      %lt3A_50 = arith.cmpi slt, %select_n3A_44, %lt3A_49 : i32
      %ne3A_51 = arith.xori %lt3A_48, %lt3A_50 : i1
      %and3A_52 = arith.andi %ne3A_51, %ne3A_47 : i1
      %add3A_53 = arith.addi %rem3A_45, %select_n3A_44 : i32
      %select_n3A_54 = arith.select %and3A_52, %add3A_53, %rem3A_45 : i32
      %mul3A_55 = arith.constant 128 : i32
      %mul3A_56 = arith.muli %add3A_21, %mul3A_55 : i32
      %mul3A_57 = arith.constant 128 : i32
      %mul3A_58 = arith.muli %select_n3A_54, %mul3A_57 : i32
      %mul3A_59 = arith.constant 16 : i32
      %mul3A_60 = arith.muli %select_n3A, %mul3A_59 : i32
      %dma_wait3A = arith.constant 0 : i32
      %dma_wait3A_61 = tpu.memref_slice %arg6[%mul3A_56, %dma_wait3A] : memref<4096x16xf32, #tpu.memory_space<vmem>> -> memref<128x16xf32, #tpu.memory_space<vmem>>
      %dma_wait3A_62 = tpu.memref_slice %arg4[%mul3A_58, %mul3A_60] : memref<16384x128xf32, #tpu.memory_space<hbm>> -> memref<128x16xf32, #tpu.memory_space<hbm>>
      %dma_wait3A_63 = tpu.memref_slice %arg4[%mul3A_58, %mul3A_60] : memref<16384x128xf32, #tpu.memory_space<hbm>> -> memref<128x16xf32, #tpu.memory_space<hbm>>
      %dma_wait3A_64 = arith.constant 0 : i32
      %dma_wait3A_65 = tpu.memref_slice %arg6[%mul3A_56, %dma_wait3A_64] : memref<4096x16xf32, #tpu.memory_space<vmem>> -> memref<128x16xf32, #tpu.memory_space<vmem>>
      tpu.wait_dma2 semaphore(%arg8 : memref<!tpu.dma_semaphore, #tpu.memory_space<semaphore_mem>>) src(%dma_wait3A_65 : memref<128x16xf32, #tpu.memory_space<vmem>>) dst(%dma_wait3A_63 : memref<128x16xf32, #tpu.memory_space<hbm>>)
    }
    %scan3A_16 = arith.constant 32 : i32
    return
  }
}

#map = affine_map<(d0, d1) -> (0, 0)>
module attributes {stable_mosaic.version = 14 : i64} {
  func.func @k(%arg0: i32, %arg1: i32, %arg2: memref<800256x16xf32, #tpu.memory_space<hbm>>, %arg3: memref<1024x128xi32, #tpu.memory_space<hbm>>, %arg4: memref<16384x128xf32, #tpu.memory_space<hbm>>, %arg5: memref<32x128xi32, #tpu.memory_space<vmem>>, %arg6: memref<4096x16xf32, #tpu.memory_space<vmem>>, %arg7: memref<!tpu.dma_semaphore, #tpu.memory_space<semaphore_mem>>, %arg8: memref<!tpu.dma_semaphore, #tpu.memory_space<semaphore_mem>>) attributes {dimension_semantics = [#tpu.dimension_semantics<core_parallel>, #tpu.dimension_semantics<subcore_parallel>], iteration_bounds = array<i64: 2, 16>, scalar_prefetch = 0 : i64, scratch_operands = 4 : i64, tpu.core_type = #tpu.core_type<sc_vector_subcore>, window_params = [{transform_indices = #map}, {transform_indices = #map}, {transform_indices = #map}]} {
    %mul3A = arith.constant 2 : i32
    %mul3A_0 = arith.muli %arg1, %mul3A : i32
    %add3A = arith.addi %mul3A_0, %arg0 : i32
    %mul3A_1 = arith.constant 32 : i32
    %mul3A_2 = arith.muli %add3A, %mul3A_1 : i32
    "tpu.region"() ({
      %run_scoped3A = tpu.sem_alloc : memref<!tpu.dma_semaphore, #tpu.memory_space<semaphore_mem>>
      %dma_start3A = arith.constant 0 : i32
      %dma_start3A_17 = tpu.memref_slice %arg3[%mul3A_2, %dma_start3A] : memref<1024x128xi32, #tpu.memory_space<hbm>> -> memref<32x128xi32, #tpu.memory_space<hbm>>
      %dma_start3A_18 = arith.constant 0 : i32
      %dma_start3A_19 = tpu.memref_slice %arg3[%mul3A_2, %dma_start3A_18] : memref<1024x128xi32, #tpu.memory_space<hbm>> -> memref<32x128xi32, #tpu.memory_space<hbm>>
      tpu.enqueue_dma source(%dma_start3A_19 : memref<32x128xi32, #tpu.memory_space<hbm>>) target(%arg5 : memref<32x128xi32, #tpu.memory_space<vmem>>) target_semaphore(%run_scoped3A : memref<!tpu.dma_semaphore, #tpu.memory_space<semaphore_mem>>)
      %dma_wait3A = arith.constant 0 : i32
      %dma_wait3A_20 = tpu.memref_slice %arg3[%mul3A_2, %dma_wait3A] : memref<1024x128xi32, #tpu.memory_space<hbm>> -> memref<32x128xi32, #tpu.memory_space<hbm>>
      %dma_wait3A_21 = arith.constant 0 : i32
      %dma_wait3A_22 = tpu.memref_slice %arg3[%mul3A_2, %dma_wait3A_21] : memref<1024x128xi32, #tpu.memory_space<hbm>> -> memref<32x128xi32, #tpu.memory_space<hbm>>
      tpu.wait_dma2 semaphore(%run_scoped3A : memref<!tpu.dma_semaphore, #tpu.memory_space<semaphore_mem>>) src(%dma_wait3A_22 : memref<32x128xi32, #tpu.memory_space<hbm>>) dst(%arg5 : memref<32x128xi32, #tpu.memory_space<vmem>>)
      tpu.yield
    }) : () -> ()
    %scan3A = arith.constant 0 : i32
    %scan3A_3 = arith.constant 32 : i32
    %scan3A_4 = arith.addi %scan3A, %scan3A_3 : i32
    %scan3A_5 = arith.constant 1 : i32
    scf.for %scan3A_17 = %scan3A to %scan3A_4 step %scan3A_5  : i32 {
      %mul3A_18 = arith.constant 1 : i32
      %mul3A_19 = arith.muli %scan3A_17, %mul3A_18 : i32
      %add3A_20 = arith.constant 0 : i32
      %add3A_21 = arith.addi %add3A_20, %mul3A_19 : i32
      %mul3A_22 = arith.constant 128 : i32
      %mul3A_23 = arith.muli %add3A_21, %mul3A_22 : i32
      %dma_start3A = arith.constant 0 : i32
      %dma_start3A_24 = tpu.memref_slice %arg6[%mul3A_23, %dma_start3A] : memref<4096x16xf32, #tpu.memory_space<vmem>> -> memref<128x16xf32, #tpu.memory_space<vmem>>
      %dma_start3A_25 = arith.constant 0 : i32
      %dma_start3A_26 = tpu.memref_slice %arg5[%add3A_21, %dma_start3A_25] : memref<32x128xi32, #tpu.memory_space<vmem>> -> memref<1x128xi32, #tpu.memory_space<vmem>>
      %dma_start3A_27 = tpu.memref_squeeze %dma_start3A_26 : memref<1x128xi32, #tpu.memory_space<vmem>> -> memref<128xi32, #tpu.memory_space<vmem>>
      %dma_start3A_28 = arith.constant 0 : i32
      %dma_start3A_29 = arith.constant 0 : i32
      %dma_start3A_30 = tpu.memref_slice %arg2[%dma_start3A_28, %dma_start3A_29] : memref<800256x16xf32, #tpu.memory_space<hbm>> -> memref<800256x16xf32, #tpu.memory_space<hbm>>
      tpu.enqueue_indirect_dma source(%dma_start3A_30 : memref<800256x16xf32, #tpu.memory_space<hbm>>) target(%dma_start3A_24 : memref<128x16xf32, #tpu.memory_space<vmem>>) offsets(%dma_start3A_27 : memref<128xi32, #tpu.memory_space<vmem>>) semaphore(%arg7 : memref<!tpu.dma_semaphore, #tpu.memory_space<semaphore_mem>>)
    }
    %scan3A_6 = arith.constant 32 : i32
    %scan3A_7 = arith.constant 0 : i32
    %scan3A_8 = arith.constant 32 : i32
    %scan3A_9 = arith.addi %scan3A_7, %scan3A_8 : i32
    %scan3A_10 = arith.constant 1 : i32
    scf.for %scan3A_17 = %scan3A_7 to %scan3A_9 step %scan3A_10  : i32 {
      %mul3A_18 = arith.constant 1 : i32
      %mul3A_19 = arith.muli %scan3A_17, %mul3A_18 : i32
      %add3A_20 = arith.constant 0 : i32
      %add3A_21 = arith.addi %add3A_20, %mul3A_19 : i32
      %mul3A_22 = arith.constant 128 : i32
      %mul3A_23 = arith.muli %add3A_21, %mul3A_22 : i32
      %dma_wait3A = arith.constant 0 : i32
      %dma_wait3A_24 = tpu.memref_slice %arg6[%mul3A_23, %dma_wait3A] : memref<4096x16xf32, #tpu.memory_space<vmem>> -> memref<128x16xf32, #tpu.memory_space<vmem>>
      %dma_wait3A_25 = arith.constant 0 : i32
      %dma_wait3A_26 = tpu.memref_slice %arg5[%add3A_21, %dma_wait3A_25] : memref<32x128xi32, #tpu.memory_space<vmem>> -> memref<1x128xi32, #tpu.memory_space<vmem>>
      %dma_wait3A_27 = tpu.memref_squeeze %dma_wait3A_26 : memref<1x128xi32, #tpu.memory_space<vmem>> -> memref<128xi32, #tpu.memory_space<vmem>>
      %dma_wait3A_28 = arith.constant 0 : i32
      %dma_wait3A_29 = arith.constant 0 : i32
      %dma_wait3A_30 = tpu.memref_slice %arg2[%dma_wait3A_28, %dma_wait3A_29] : memref<800256x16xf32, #tpu.memory_space<hbm>> -> memref<800256x16xf32, #tpu.memory_space<hbm>>
      tpu.wait_indirect_dma semaphore(%arg7 : memref<!tpu.dma_semaphore, #tpu.memory_space<semaphore_mem>>) src(%dma_wait3A_30 : memref<800256x16xf32, #tpu.memory_space<hbm>>) dst(%dma_wait3A_24 : memref<128x16xf32, #tpu.memory_space<vmem>>)
      %mul3A_31 = arith.constant 32 : i32
      %mul3A_32 = arith.muli %add3A, %mul3A_31 : i32
      %add3A_33 = arith.addi %mul3A_32, %add3A_21 : i32
      %jit3A = arith.constant 128 : i32
      %div3A = arith.divsi %add3A_33, %jit3A : i32
      %sign3A = arith.constant 0 : i32
      %sign3A_34 = arith.cmpi sgt, %add3A_33, %sign3A : i32
      %sign3A_35 = arith.extui %sign3A_34 : i1 to i32
      %sign3A_36 = arith.constant 0 : i32
      %sign3A_37 = arith.cmpi slt, %add3A_33, %sign3A_36 : i32
      %sign3A_38 = arith.extui %sign3A_37 : i1 to i32
      %sign3A_39 = arith.subi %sign3A_35, %sign3A_38 : i32
      %sign3A_40 = arith.constant 0 : i32
      %sign3A_41 = arith.cmpi sgt, %jit3A, %sign3A_40 : i32
      %sign3A_42 = arith.extui %sign3A_41 : i1 to i32
      %sign3A_43 = arith.constant 0 : i32
      %sign3A_44 = arith.cmpi slt, %jit3A, %sign3A_43 : i32
      %sign3A_45 = arith.extui %sign3A_44 : i1 to i32
      %sign3A_46 = arith.subi %sign3A_42, %sign3A_45 : i32
      %ne3A = arith.cmpi ne, %sign3A_39, %sign3A_46 : i32
      %rem3A = arith.remsi %add3A_33, %jit3A : i32
      %ne3A_47 = arith.constant 0 : i32
      %ne3A_48 = arith.cmpi ne, %rem3A, %ne3A_47 : i32
      %and3A = arith.andi %ne3A, %ne3A_48 : i1
      %sub3A = arith.constant 1 : i32
      %sub3A_49 = arith.subi %div3A, %sub3A : i32
      %select_n3A = arith.select %and3A, %sub3A_49, %div3A : i32
      %jit3A_50 = arith.constant 128 : i32
      %eq3A = arith.constant 0 : i32
      %eq3A_51 = arith.cmpi eq, %jit3A_50, %eq3A : i32
      %jit3A_52 = arith.constant 1 : i32
      %select_n3A_53 = arith.select %eq3A_51, %jit3A_52, %jit3A_50 : i32
      %rem3A_54 = arith.remsi %add3A_33, %select_n3A_53 : i32
      %ne3A_55 = arith.constant 0 : i32
      %ne3A_56 = arith.cmpi ne, %rem3A_54, %ne3A_55 : i32
      %lt3A = arith.constant 0 : i32
      %lt3A_57 = arith.cmpi slt, %rem3A_54, %lt3A : i32
      %lt3A_58 = arith.constant 0 : i32
      %lt3A_59 = arith.cmpi slt, %select_n3A_53, %lt3A_58 : i32
      %ne3A_60 = arith.xori %lt3A_57, %lt3A_59 : i1
      %and3A_61 = arith.andi %ne3A_60, %ne3A_56 : i1
      %add3A_62 = arith.addi %rem3A_54, %select_n3A_53 : i32
      %select_n3A_63 = arith.select %and3A_61, %add3A_62, %rem3A_54 : i32
      %mul3A_64 = arith.constant 128 : i32
      %mul3A_65 = arith.muli %add3A_21, %mul3A_64 : i32
      %mul3A_66 = arith.constant 128 : i32
      %mul3A_67 = arith.muli %select_n3A_63, %mul3A_66 : i32
      %mul3A_68 = arith.constant 16 : i32
      %mul3A_69 = arith.muli %select_n3A, %mul3A_68 : i32
      %dma_start3A = arith.constant 0 : i32
      %dma_start3A_70 = tpu.memref_slice %arg6[%mul3A_65, %dma_start3A] : memref<4096x16xf32, #tpu.memory_space<vmem>> -> memref<128x16xf32, #tpu.memory_space<vmem>>
      %dma_start3A_71 = tpu.memref_slice %arg4[%mul3A_67, %mul3A_69] : memref<16384x128xf32, #tpu.memory_space<hbm>> -> memref<128x16xf32, #tpu.memory_space<hbm>>
      %dma_start3A_72 = tpu.memref_slice %arg4[%mul3A_67, %mul3A_69] : memref<16384x128xf32, #tpu.memory_space<hbm>> -> memref<128x16xf32, #tpu.memory_space<hbm>>
      %dma_start3A_73 = arith.constant 0 : i32
      %dma_start3A_74 = tpu.memref_slice %arg6[%mul3A_65, %dma_start3A_73] : memref<4096x16xf32, #tpu.memory_space<vmem>> -> memref<128x16xf32, #tpu.memory_space<vmem>>
      tpu.enqueue_dma source(%dma_start3A_74 : memref<128x16xf32, #tpu.memory_space<vmem>>) target(%dma_start3A_72 : memref<128x16xf32, #tpu.memory_space<hbm>>) target_semaphore(%arg8 : memref<!tpu.dma_semaphore, #tpu.memory_space<semaphore_mem>>)
    }
    %scan3A_11 = arith.constant 32 : i32
    %scan3A_12 = arith.constant 0 : i32
    %scan3A_13 = arith.constant 32 : i32
    %scan3A_14 = arith.addi %scan3A_12, %scan3A_13 : i32
    %scan3A_15 = arith.constant 1 : i32
    scf.for %scan3A_17 = %scan3A_12 to %scan3A_14 step %scan3A_15  : i32 {
      %mul3A_18 = arith.constant 1 : i32
      %mul3A_19 = arith.muli %scan3A_17, %mul3A_18 : i32
      %add3A_20 = arith.constant 0 : i32
      %add3A_21 = arith.addi %add3A_20, %mul3A_19 : i32
      %mul3A_22 = arith.constant 32 : i32
      %mul3A_23 = arith.muli %add3A, %mul3A_22 : i32
      %add3A_24 = arith.addi %mul3A_23, %add3A_21 : i32
      %jit3A = arith.constant 128 : i32
      %div3A = arith.divsi %add3A_24, %jit3A : i32
      %sign3A = arith.constant 0 : i32
      %sign3A_25 = arith.cmpi sgt, %add3A_24, %sign3A : i32
      %sign3A_26 = arith.extui %sign3A_25 : i1 to i32
      %sign3A_27 = arith.constant 0 : i32
      %sign3A_28 = arith.cmpi slt, %add3A_24, %sign3A_27 : i32
      %sign3A_29 = arith.extui %sign3A_28 : i1 to i32
      %sign3A_30 = arith.subi %sign3A_26, %sign3A_29 : i32
      %sign3A_31 = arith.constant 0 : i32
      %sign3A_32 = arith.cmpi sgt, %jit3A, %sign3A_31 : i32
      %sign3A_33 = arith.extui %sign3A_32 : i1 to i32
      %sign3A_34 = arith.constant 0 : i32
      %sign3A_35 = arith.cmpi slt, %jit3A, %sign3A_34 : i32
      %sign3A_36 = arith.extui %sign3A_35 : i1 to i32
      %sign3A_37 = arith.subi %sign3A_33, %sign3A_36 : i32
      %ne3A = arith.cmpi ne, %sign3A_30, %sign3A_37 : i32
      %rem3A = arith.remsi %add3A_24, %jit3A : i32
      %ne3A_38 = arith.constant 0 : i32
      %ne3A_39 = arith.cmpi ne, %rem3A, %ne3A_38 : i32
      %and3A = arith.andi %ne3A, %ne3A_39 : i1
      %sub3A = arith.constant 1 : i32
      %sub3A_40 = arith.subi %div3A, %sub3A : i32
      %select_n3A = arith.select %and3A, %sub3A_40, %div3A : i32
      %jit3A_41 = arith.constant 128 : i32
      %eq3A = arith.constant 0 : i32
      %eq3A_42 = arith.cmpi eq, %jit3A_41, %eq3A : i32
      %jit3A_43 = arith.constant 1 : i32
      %select_n3A_44 = arith.select %eq3A_42, %jit3A_43, %jit3A_41 : i32
      %rem3A_45 = arith.remsi %add3A_24, %select_n3A_44 : i32
      %ne3A_46 = arith.constant 0 : i32
      %ne3A_47 = arith.cmpi ne, %rem3A_45, %ne3A_46 : i32
      %lt3A = arith.constant 0 : i32
      %lt3A_48 = arith.cmpi slt, %rem3A_45, %lt3A : i32
      %lt3A_49 = arith.constant 0 : i32
      %lt3A_50 = arith.cmpi slt, %select_n3A_44, %lt3A_49 : i32
      %ne3A_51 = arith.xori %lt3A_48, %lt3A_50 : i1
      %and3A_52 = arith.andi %ne3A_51, %ne3A_47 : i1
      %add3A_53 = arith.addi %rem3A_45, %select_n3A_44 : i32
      %select_n3A_54 = arith.select %and3A_52, %add3A_53, %rem3A_45 : i32
      %mul3A_55 = arith.constant 128 : i32
      %mul3A_56 = arith.muli %add3A_21, %mul3A_55 : i32
      %mul3A_57 = arith.constant 128 : i32
      %mul3A_58 = arith.muli %select_n3A_54, %mul3A_57 : i32
      %mul3A_59 = arith.constant 16 : i32
      %mul3A_60 = arith.muli %select_n3A, %mul3A_59 : i32
      %dma_wait3A = arith.constant 0 : i32
      %dma_wait3A_61 = tpu.memref_slice %arg6[%mul3A_56, %dma_wait3A] : memref<4096x16xf32, #tpu.memory_space<vmem>> -> memref<128x16xf32, #tpu.memory_space<vmem>>
      %dma_wait3A_62 = tpu.memref_slice %arg4[%mul3A_58, %mul3A_60] : memref<16384x128xf32, #tpu.memory_space<hbm>> -> memref<128x16xf32, #tpu.memory_space<hbm>>
      %dma_wait3A_63 = tpu.memref_slice %arg4[%mul3A_58, %mul3A_60] : memref<16384x128xf32, #tpu.memory_space<hbm>> -> memref<128x16xf32, #tpu.memory_space<hbm>>
      %dma_wait3A_64 = arith.constant 0 : i32
      %dma_wait3A_65 = tpu.memref_slice %arg6[%mul3A_56, %dma_wait3A_64] : memref<4096x16xf32, #tpu.memory_space<vmem>> -> memref<128x16xf32, #tpu.memory_space<vmem>>
      tpu.wait_dma2 semaphore(%arg8 : memref<!tpu.dma_semaphore, #tpu.memory_space<semaphore_mem>>) src(%dma_wait3A_65 : memref<128x16xf32, #tpu.memory_space<vmem>>) dst(%dma_wait3A_63 : memref<128x16xf32, #tpu.memory_space<hbm>>)
    }
    %scan3A_16 = arith.constant 32 : i32
    return
  }
}

#map = affine_map<(d0, d1) -> (0, 0)>
module attributes {stable_mosaic.version = 14 : i64} {
  func.func @k(%arg0: i32, %arg1: i32, %arg2: memref<800256x16xf32, #tpu.memory_space<hbm>>, %arg3: memref<1024x128xi32, #tpu.memory_space<hbm>>, %arg4: memref<16384x128xf32, #tpu.memory_space<hbm>>, %arg5: memref<32x128xi32, #tpu.memory_space<vmem>>, %arg6: memref<4096x16xf32, #tpu.memory_space<vmem>>, %arg7: memref<!tpu.dma_semaphore, #tpu.memory_space<semaphore_mem>>, %arg8: memref<!tpu.dma_semaphore, #tpu.memory_space<semaphore_mem>>) attributes {dimension_semantics = [#tpu.dimension_semantics<core_parallel>, #tpu.dimension_semantics<subcore_parallel>], iteration_bounds = array<i64: 2, 16>, scalar_prefetch = 0 : i64, scratch_operands = 4 : i64, tpu.core_type = #tpu.core_type<sc_vector_subcore>, window_params = [{transform_indices = #map}, {transform_indices = #map}, {transform_indices = #map}]} {
    %mul3A = arith.constant 2 : i32
    %mul3A_0 = arith.muli %arg1, %mul3A : i32
    %add3A = arith.addi %mul3A_0, %arg0 : i32
    %mul3A_1 = arith.constant 32 : i32
    %mul3A_2 = arith.muli %add3A, %mul3A_1 : i32
    "tpu.region"() ({
      %run_scoped3A = tpu.sem_alloc : memref<!tpu.dma_semaphore, #tpu.memory_space<semaphore_mem>>
      %dma_start3A = arith.constant 0 : i32
      %dma_start3A_17 = tpu.memref_slice %arg3[%mul3A_2, %dma_start3A] : memref<1024x128xi32, #tpu.memory_space<hbm>> -> memref<32x128xi32, #tpu.memory_space<hbm>>
      %dma_start3A_18 = arith.constant 0 : i32
      %dma_start3A_19 = tpu.memref_slice %arg3[%mul3A_2, %dma_start3A_18] : memref<1024x128xi32, #tpu.memory_space<hbm>> -> memref<32x128xi32, #tpu.memory_space<hbm>>
      tpu.enqueue_dma source(%dma_start3A_19 : memref<32x128xi32, #tpu.memory_space<hbm>>) target(%arg5 : memref<32x128xi32, #tpu.memory_space<vmem>>) target_semaphore(%run_scoped3A : memref<!tpu.dma_semaphore, #tpu.memory_space<semaphore_mem>>)
      %dma_wait3A = arith.constant 0 : i32
      %dma_wait3A_20 = tpu.memref_slice %arg3[%mul3A_2, %dma_wait3A] : memref<1024x128xi32, #tpu.memory_space<hbm>> -> memref<32x128xi32, #tpu.memory_space<hbm>>
      %dma_wait3A_21 = arith.constant 0 : i32
      %dma_wait3A_22 = tpu.memref_slice %arg3[%mul3A_2, %dma_wait3A_21] : memref<1024x128xi32, #tpu.memory_space<hbm>> -> memref<32x128xi32, #tpu.memory_space<hbm>>
      tpu.wait_dma2 semaphore(%run_scoped3A : memref<!tpu.dma_semaphore, #tpu.memory_space<semaphore_mem>>) src(%dma_wait3A_22 : memref<32x128xi32, #tpu.memory_space<hbm>>) dst(%arg5 : memref<32x128xi32, #tpu.memory_space<vmem>>)
      tpu.yield
    }) : () -> ()
    %scan3A = arith.constant 0 : i32
    %scan3A_3 = arith.constant 32 : i32
    %scan3A_4 = arith.addi %scan3A, %scan3A_3 : i32
    %scan3A_5 = arith.constant 1 : i32
    scf.for %scan3A_17 = %scan3A to %scan3A_4 step %scan3A_5  : i32 {
      %mul3A_18 = arith.constant 1 : i32
      %mul3A_19 = arith.muli %scan3A_17, %mul3A_18 : i32
      %add3A_20 = arith.constant 0 : i32
      %add3A_21 = arith.addi %add3A_20, %mul3A_19 : i32
      %mul3A_22 = arith.constant 128 : i32
      %mul3A_23 = arith.muli %add3A_21, %mul3A_22 : i32
      %dma_start3A = arith.constant 0 : i32
      %dma_start3A_24 = tpu.memref_slice %arg6[%mul3A_23, %dma_start3A] : memref<4096x16xf32, #tpu.memory_space<vmem>> -> memref<128x16xf32, #tpu.memory_space<vmem>>
      %dma_start3A_25 = arith.constant 0 : i32
      %dma_start3A_26 = tpu.memref_slice %arg5[%add3A_21, %dma_start3A_25] : memref<32x128xi32, #tpu.memory_space<vmem>> -> memref<1x128xi32, #tpu.memory_space<vmem>>
      %dma_start3A_27 = tpu.memref_squeeze %dma_start3A_26 : memref<1x128xi32, #tpu.memory_space<vmem>> -> memref<128xi32, #tpu.memory_space<vmem>>
      %dma_start3A_28 = arith.constant 0 : i32
      %dma_start3A_29 = arith.constant 0 : i32
      %dma_start3A_30 = tpu.memref_slice %arg2[%dma_start3A_28, %dma_start3A_29] : memref<800256x16xf32, #tpu.memory_space<hbm>> -> memref<800256x16xf32, #tpu.memory_space<hbm>>
      tpu.enqueue_indirect_dma source(%dma_start3A_30 : memref<800256x16xf32, #tpu.memory_space<hbm>>) target(%dma_start3A_24 : memref<128x16xf32, #tpu.memory_space<vmem>>) offsets(%dma_start3A_27 : memref<128xi32, #tpu.memory_space<vmem>>) semaphore(%arg7 : memref<!tpu.dma_semaphore, #tpu.memory_space<semaphore_mem>>)
    }
    %scan3A_6 = arith.constant 32 : i32
    %scan3A_7 = arith.constant 0 : i32
    %scan3A_8 = arith.constant 32 : i32
    %scan3A_9 = arith.addi %scan3A_7, %scan3A_8 : i32
    %scan3A_10 = arith.constant 1 : i32
    scf.for %scan3A_17 = %scan3A_7 to %scan3A_9 step %scan3A_10  : i32 {
      %mul3A_18 = arith.constant 1 : i32
      %mul3A_19 = arith.muli %scan3A_17, %mul3A_18 : i32
      %add3A_20 = arith.constant 0 : i32
      %add3A_21 = arith.addi %add3A_20, %mul3A_19 : i32
      %mul3A_22 = arith.constant 128 : i32
      %mul3A_23 = arith.muli %add3A_21, %mul3A_22 : i32
      %dma_wait3A = arith.constant 0 : i32
      %dma_wait3A_24 = tpu.memref_slice %arg6[%mul3A_23, %dma_wait3A] : memref<4096x16xf32, #tpu.memory_space<vmem>> -> memref<128x16xf32, #tpu.memory_space<vmem>>
      %dma_wait3A_25 = arith.constant 0 : i32
      %dma_wait3A_26 = tpu.memref_slice %arg5[%add3A_21, %dma_wait3A_25] : memref<32x128xi32, #tpu.memory_space<vmem>> -> memref<1x128xi32, #tpu.memory_space<vmem>>
      %dma_wait3A_27 = tpu.memref_squeeze %dma_wait3A_26 : memref<1x128xi32, #tpu.memory_space<vmem>> -> memref<128xi32, #tpu.memory_space<vmem>>
      %dma_wait3A_28 = arith.constant 0 : i32
      %dma_wait3A_29 = arith.constant 0 : i32
      %dma_wait3A_30 = tpu.memref_slice %arg2[%dma_wait3A_28, %dma_wait3A_29] : memref<800256x16xf32, #tpu.memory_space<hbm>> -> memref<800256x16xf32, #tpu.memory_space<hbm>>
      tpu.wait_indirect_dma semaphore(%arg7 : memref<!tpu.dma_semaphore, #tpu.memory_space<semaphore_mem>>) src(%dma_wait3A_30 : memref<800256x16xf32, #tpu.memory_space<hbm>>) dst(%dma_wait3A_24 : memref<128x16xf32, #tpu.memory_space<vmem>>)
      %mul3A_31 = arith.constant 32 : i32
      %mul3A_32 = arith.muli %add3A, %mul3A_31 : i32
      %add3A_33 = arith.addi %mul3A_32, %add3A_21 : i32
      %jit3A = arith.constant 128 : i32
      %div3A = arith.divsi %add3A_33, %jit3A : i32
      %sign3A = arith.constant 0 : i32
      %sign3A_34 = arith.cmpi sgt, %add3A_33, %sign3A : i32
      %sign3A_35 = arith.extui %sign3A_34 : i1 to i32
      %sign3A_36 = arith.constant 0 : i32
      %sign3A_37 = arith.cmpi slt, %add3A_33, %sign3A_36 : i32
      %sign3A_38 = arith.extui %sign3A_37 : i1 to i32
      %sign3A_39 = arith.subi %sign3A_35, %sign3A_38 : i32
      %sign3A_40 = arith.constant 0 : i32
      %sign3A_41 = arith.cmpi sgt, %jit3A, %sign3A_40 : i32
      %sign3A_42 = arith.extui %sign3A_41 : i1 to i32
      %sign3A_43 = arith.constant 0 : i32
      %sign3A_44 = arith.cmpi slt, %jit3A, %sign3A_43 : i32
      %sign3A_45 = arith.extui %sign3A_44 : i1 to i32
      %sign3A_46 = arith.subi %sign3A_42, %sign3A_45 : i32
      %ne3A = arith.cmpi ne, %sign3A_39, %sign3A_46 : i32
      %rem3A = arith.remsi %add3A_33, %jit3A : i32
      %ne3A_47 = arith.constant 0 : i32
      %ne3A_48 = arith.cmpi ne, %rem3A, %ne3A_47 : i32
      %and3A = arith.andi %ne3A, %ne3A_48 : i1
      %sub3A = arith.constant 1 : i32
      %sub3A_49 = arith.subi %div3A, %sub3A : i32
      %select_n3A = arith.select %and3A, %sub3A_49, %div3A : i32
      %jit3A_50 = arith.constant 128 : i32
      %eq3A = arith.constant 0 : i32
      %eq3A_51 = arith.cmpi eq, %jit3A_50, %eq3A : i32
      %jit3A_52 = arith.constant 1 : i32
      %select_n3A_53 = arith.select %eq3A_51, %jit3A_52, %jit3A_50 : i32
      %rem3A_54 = arith.remsi %add3A_33, %select_n3A_53 : i32
      %ne3A_55 = arith.constant 0 : i32
      %ne3A_56 = arith.cmpi ne, %rem3A_54, %ne3A_55 : i32
      %lt3A = arith.constant 0 : i32
      %lt3A_57 = arith.cmpi slt, %rem3A_54, %lt3A : i32
      %lt3A_58 = arith.constant 0 : i32
      %lt3A_59 = arith.cmpi slt, %select_n3A_53, %lt3A_58 : i32
      %ne3A_60 = arith.xori %lt3A_57, %lt3A_59 : i1
      %and3A_61 = arith.andi %ne3A_60, %ne3A_56 : i1
      %add3A_62 = arith.addi %rem3A_54, %select_n3A_53 : i32
      %select_n3A_63 = arith.select %and3A_61, %add3A_62, %rem3A_54 : i32
      %mul3A_64 = arith.constant 128 : i32
      %mul3A_65 = arith.muli %add3A_21, %mul3A_64 : i32
      %mul3A_66 = arith.constant 128 : i32
      %mul3A_67 = arith.muli %select_n3A_63, %mul3A_66 : i32
      %mul3A_68 = arith.constant 16 : i32
      %mul3A_69 = arith.muli %select_n3A, %mul3A_68 : i32
      %dma_start3A = arith.constant 0 : i32
      %dma_start3A_70 = tpu.memref_slice %arg6[%mul3A_65, %dma_start3A] : memref<4096x16xf32, #tpu.memory_space<vmem>> -> memref<128x16xf32, #tpu.memory_space<vmem>>
      %dma_start3A_71 = tpu.memref_slice %arg4[%mul3A_67, %mul3A_69] : memref<16384x128xf32, #tpu.memory_space<hbm>> -> memref<128x16xf32, #tpu.memory_space<hbm>>
      %dma_start3A_72 = tpu.memref_slice %arg4[%mul3A_67, %mul3A_69] : memref<16384x128xf32, #tpu.memory_space<hbm>> -> memref<128x16xf32, #tpu.memory_space<hbm>>
      %dma_start3A_73 = arith.constant 0 : i32
      %dma_start3A_74 = tpu.memref_slice %arg6[%mul3A_65, %dma_start3A_73] : memref<4096x16xf32, #tpu.memory_space<vmem>> -> memref<128x16xf32, #tpu.memory_space<vmem>>
      tpu.enqueue_dma source(%dma_start3A_74 : memref<128x16xf32, #tpu.memory_space<vmem>>) target(%dma_start3A_72 : memref<128x16xf32, #tpu.memory_space<hbm>>) target_semaphore(%arg8 : memref<!tpu.dma_semaphore, #tpu.memory_space<semaphore_mem>>)
    }
    %scan3A_11 = arith.constant 32 : i32
    %scan3A_12 = arith.constant 0 : i32
    %scan3A_13 = arith.constant 32 : i32
    %scan3A_14 = arith.addi %scan3A_12, %scan3A_13 : i32
    %scan3A_15 = arith.constant 1 : i32
    scf.for %scan3A_17 = %scan3A_12 to %scan3A_14 step %scan3A_15  : i32 {
      %mul3A_18 = arith.constant 1 : i32
      %mul3A_19 = arith.muli %scan3A_17, %mul3A_18 : i32
      %add3A_20 = arith.constant 0 : i32
      %add3A_21 = arith.addi %add3A_20, %mul3A_19 : i32
      %mul3A_22 = arith.constant 32 : i32
      %mul3A_23 = arith.muli %add3A, %mul3A_22 : i32
      %add3A_24 = arith.addi %mul3A_23, %add3A_21 : i32
      %jit3A = arith.constant 128 : i32
      %div3A = arith.divsi %add3A_24, %jit3A : i32
      %sign3A = arith.constant 0 : i32
      %sign3A_25 = arith.cmpi sgt, %add3A_24, %sign3A : i32
      %sign3A_26 = arith.extui %sign3A_25 : i1 to i32
      %sign3A_27 = arith.constant 0 : i32
      %sign3A_28 = arith.cmpi slt, %add3A_24, %sign3A_27 : i32
      %sign3A_29 = arith.extui %sign3A_28 : i1 to i32
      %sign3A_30 = arith.subi %sign3A_26, %sign3A_29 : i32
      %sign3A_31 = arith.constant 0 : i32
      %sign3A_32 = arith.cmpi sgt, %jit3A, %sign3A_31 : i32
      %sign3A_33 = arith.extui %sign3A_32 : i1 to i32
      %sign3A_34 = arith.constant 0 : i32
      %sign3A_35 = arith.cmpi slt, %jit3A, %sign3A_34 : i32
      %sign3A_36 = arith.extui %sign3A_35 : i1 to i32
      %sign3A_37 = arith.subi %sign3A_33, %sign3A_36 : i32
      %ne3A = arith.cmpi ne, %sign3A_30, %sign3A_37 : i32
      %rem3A = arith.remsi %add3A_24, %jit3A : i32
      %ne3A_38 = arith.constant 0 : i32
      %ne3A_39 = arith.cmpi ne, %rem3A, %ne3A_38 : i32
      %and3A = arith.andi %ne3A, %ne3A_39 : i1
      %sub3A = arith.constant 1 : i32
      %sub3A_40 = arith.subi %div3A, %sub3A : i32
      %select_n3A = arith.select %and3A, %sub3A_40, %div3A : i32
      %jit3A_41 = arith.constant 128 : i32
      %eq3A = arith.constant 0 : i32
      %eq3A_42 = arith.cmpi eq, %jit3A_41, %eq3A : i32
      %jit3A_43 = arith.constant 1 : i32
      %select_n3A_44 = arith.select %eq3A_42, %jit3A_43, %jit3A_41 : i32
      %rem3A_45 = arith.remsi %add3A_24, %select_n3A_44 : i32
      %ne3A_46 = arith.constant 0 : i32
      %ne3A_47 = arith.cmpi ne, %rem3A_45, %ne3A_46 : i32
      %lt3A = arith.constant 0 : i32
      %lt3A_48 = arith.cmpi slt, %rem3A_45, %lt3A : i32
      %lt3A_49 = arith.constant 0 : i32
      %lt3A_50 = arith.cmpi slt, %select_n3A_44, %lt3A_49 : i32
      %ne3A_51 = arith.xori %lt3A_48, %lt3A_50 : i1
      %and3A_52 = arith.andi %ne3A_51, %ne3A_47 : i1
      %add3A_53 = arith.addi %rem3A_45, %select_n3A_44 : i32
      %select_n3A_54 = arith.select %and3A_52, %add3A_53, %rem3A_45 : i32
      %mul3A_55 = arith.constant 128 : i32
      %mul3A_56 = arith.muli %add3A_21, %mul3A_55 : i32
      %mul3A_57 = arith.constant 128 : i32
      %mul3A_58 = arith.muli %select_n3A_54, %mul3A_57 : i32
      %mul3A_59 = arith.constant 16 : i32
      %mul3A_60 = arith.muli %select_n3A, %mul3A_59 : i32
      %dma_wait3A = arith.constant 0 : i32
      %dma_wait3A_61 = tpu.memref_slice %arg6[%mul3A_56, %dma_wait3A] : memref<4096x16xf32, #tpu.memory_space<vmem>> -> memref<128x16xf32, #tpu.memory_space<vmem>>
      %dma_wait3A_62 = tpu.memref_slice %arg4[%mul3A_58, %mul3A_60] : memref<16384x128xf32, #tpu.memory_space<hbm>> -> memref<128x16xf32, #tpu.memory_space<hbm>>
      %dma_wait3A_63 = tpu.memref_slice %arg4[%mul3A_58, %mul3A_60] : memref<16384x128xf32, #tpu.memory_space<hbm>> -> memref<128x16xf32, #tpu.memory_space<hbm>>
      %dma_wait3A_64 = arith.constant 0 : i32
      %dma_wait3A_65 = tpu.memref_slice %arg6[%mul3A_56, %dma_wait3A_64] : memref<4096x16xf32, #tpu.memory_space<vmem>> -> memref<128x16xf32, #tpu.memory_space<vmem>>
      tpu.wait_dma2 semaphore(%arg8 : memref<!tpu.dma_semaphore, #tpu.memory_space<semaphore_mem>>) src(%dma_wait3A_65 : memref<128x16xf32, #tpu.memory_space<vmem>>) dst(%dma_wait3A_63 : memref<128x16xf32, #tpu.memory_space<hbm>>)
    }
    %scan3A_16 = arith.constant 32 : i32
    return
  }
}

module attributes {stable_mosaic.version = 14 : i64} {
  func.func @_transpose_body(%arg0: i32, %arg1: memref<1x16x100000xf32, #tpu.memory_space<vmem>>, %arg2: memref<128x128xf32, #tpu.memory_space<vmem>>, %arg3: memref<1x12504x128xf32, #tpu.memory_space<vmem>>) attributes {dimension_semantics = [#tpu.dimension_semantics<arbitrary>], iteration_bounds = array<i64: 8>, scalar_prefetch = 0 : i64, scratch_operands = 0 : i64, tpu.core_type = #tpu.core_type<tc>, window_params = [{transform_indices = @transform_0, window_bounds = array<i64: 1, 16, 100000>}, {pipeline_mode = #tpu.pipeline_mode<synchronous>, transform_indices = @transform_1, window_bounds = array<i64: 128, 128>}, {transform_indices = @transform_2, window_bounds = array<i64: 1, 12504, 128>}]} {
    %get3A = arith.constant 0 : index
    %get3A_0 = arith.constant 0 : index
    %get3A_1 = arith.constant 0 : index
    %get3A_2 = vector.load %arg1[%get3A, %get3A_0, %get3A_1] : memref<1x16x100000xf32, #tpu.memory_space<vmem>>, vector<1x16x100000xf32>
    %get3A_3 = vector.shape_cast %get3A_2 : vector<1x16x100000xf32> to vector<16x100000xf32>
    %slice3A = vector.extract_strided_slice %get3A_3 {offsets = [0, 0], sizes = [16, 12500], strides = [1, 1]} : vector<16x100000xf32> to vector<16x12500xf32>
    %slice3A_4 = vector.extract_strided_slice %get3A_3 {offsets = [0, 12500], sizes = [16, 12500], strides = [1, 1]} : vector<16x100000xf32> to vector<16x12500xf32>
    %slice3A_5 = vector.extract_strided_slice %get3A_3 {offsets = [0, 25000], sizes = [16, 12500], strides = [1, 1]} : vector<16x100000xf32> to vector<16x12500xf32>
    %slice3A_6 = vector.extract_strided_slice %get3A_3 {offsets = [0, 37500], sizes = [16, 12500], strides = [1, 1]} : vector<16x100000xf32> to vector<16x12500xf32>
    %slice3A_7 = vector.extract_strided_slice %get3A_3 {offsets = [0, 50000], sizes = [16, 12500], strides = [1, 1]} : vector<16x100000xf32> to vector<16x12500xf32>
    %slice3A_8 = vector.extract_strided_slice %get3A_3 {offsets = [0, 62500], sizes = [16, 12500], strides = [1, 1]} : vector<16x100000xf32> to vector<16x12500xf32>
    %slice3A_9 = vector.extract_strided_slice %get3A_3 {offsets = [0, 75000], sizes = [16, 12500], strides = [1, 1]} : vector<16x100000xf32> to vector<16x12500xf32>
    %slice3A_10 = vector.extract_strided_slice %get3A_3 {offsets = [0, 87500], sizes = [16, 12500], strides = [1, 1]} : vector<16x100000xf32> to vector<16x12500xf32>
    %concatenate3A = tpu.concatenate %slice3A, %slice3A_4, %slice3A_5, %slice3A_6, %slice3A_7, %slice3A_8, %slice3A_9, %slice3A_10 in 0 : vector<16x12500xf32>, vector<16x12500xf32>, vector<16x12500xf32>, vector<16x12500xf32>, vector<16x12500xf32>, vector<16x12500xf32>, vector<16x12500xf32>, vector<16x12500xf32> -> vector<128x12500xf32>
    %get3A_11 = arith.constant 0 : index
    %get3A_12 = arith.constant 0 : index
    %get3A_13 = vector.load %arg2[%get3A_11, %get3A_12] : memref<128x128xf32, #tpu.memory_space<vmem>>, vector<128x128xf32>
    %dot_general3A = arith.constant dense<0.000000e+00> : vector<12500x128xf32>
    %dot_general3A_14 = tpu.matmul %concatenate3A, %get3A_13, %dot_general3A {dimension_numbers = #tpu.dot_dimension_numbers<[0], [0], [1], [1], [0, 1, 1, 1], [], []>, transpose_lhs_hint = false} : vector<128x12500xf32>, vector<128x128xf32>, vector<12500x128xf32> -> vector<12500x128xf32>
    %swap3A = arith.constant 0 : index
    %swap3A_15 = arith.constant 0 : index
    %swap3A_16 = arith.constant 0 : index
    %swap3A_17 = vector.load %arg3[%swap3A, %swap3A_15, %swap3A_16] : memref<1x12504x128xf32, #tpu.memory_space<vmem>>, vector<1x12500x128xf32>
    %swap3A_18 = vector.shape_cast %swap3A_17 : vector<1x12500x128xf32> to vector<12500x128xf32>
    %swap3A_19 = vector.shape_cast %dot_general3A_14 : vector<12500x128xf32> to vector<1x12500x128xf32>
    tpu.vector_store %arg3[%swap3A, %swap3A_15, %swap3A_16], %swap3A_19 {strides = array<i32>} : memref<1x12504x128xf32, #tpu.memory_space<vmem>>, vector<1x12500x128xf32>,
    return
  }
  func.func @transform_0(%arg0: i32) -> (i32, i32, i32) {
    %add3A = arith.constant 2 : i32
    %add3A_0 = arith.addi %arg0, %add3A : i32
    %c0_i32 = arith.constant 0 : i32
    %c0_i32_1 = arith.constant 0 : i32
    %c0_i32_2 = arith.constant 0 : i32
    return %add3A_0, %c0_i32, %c0_i32_1 : i32, i32, i32
  }
  func.func @transform_1(%arg0: i32) -> (i32, i32) {
    %c0_i32 = arith.constant 0 : i32
    %c0_i32_0 = arith.constant 0 : i32
    %c0_i32_1 = arith.constant 0 : i32
    return %c0_i32, %c0_i32_0 : i32, i32
  }
  func.func @transform_2(%arg0: i32) -> (i32, i32, i32) {
    %c0_i32 = arith.constant 0 : i32
    %c0_i32_0 = arith.constant 0 : i32
    %c0_i32_1 = arith.constant 0 : i32
    return %arg0, %c0_i32, %c0_i32_0 : i32, i32, i32
  }
}

module attributes {stable_mosaic.version = 14 : i64} {
  func.func @_transpose_body(%arg0: i32, %arg1: memref<1x16x100000xf32, #tpu.memory_space<vmem>>, %arg2: memref<128x128xf32, #tpu.memory_space<vmem>>, %arg3: memref<1x12504x128xf32, #tpu.memory_space<vmem>>) attributes {dimension_semantics = [#tpu.dimension_semantics<arbitrary>], iteration_bounds = array<i64: 8>, scalar_prefetch = 0 : i64, scratch_operands = 0 : i64, tpu.core_type = #tpu.core_type<tc>, window_params = [{transform_indices = @transform_0, window_bounds = array<i64: 1, 16, 100000>}, {pipeline_mode = #tpu.pipeline_mode<synchronous>, transform_indices = @transform_1, window_bounds = array<i64: 128, 128>}, {transform_indices = @transform_2, window_bounds = array<i64: 1, 12504, 128>}]} {
    %get3A = arith.constant 0 : index
    %get3A_0 = arith.constant 0 : index
    %get3A_1 = arith.constant 0 : index
    %get3A_2 = vector.load %arg1[%get3A, %get3A_0, %get3A_1] : memref<1x16x100000xf32, #tpu.memory_space<vmem>>, vector<1x16x100000xf32>
    %get3A_3 = vector.shape_cast %get3A_2 : vector<1x16x100000xf32> to vector<16x100000xf32>
    %slice3A = vector.extract_strided_slice %get3A_3 {offsets = [0, 0], sizes = [16, 12500], strides = [1, 1]} : vector<16x100000xf32> to vector<16x12500xf32>
    %slice3A_4 = vector.extract_strided_slice %get3A_3 {offsets = [0, 12500], sizes = [16, 12500], strides = [1, 1]} : vector<16x100000xf32> to vector<16x12500xf32>
    %slice3A_5 = vector.extract_strided_slice %get3A_3 {offsets = [0, 25000], sizes = [16, 12500], strides = [1, 1]} : vector<16x100000xf32> to vector<16x12500xf32>
    %slice3A_6 = vector.extract_strided_slice %get3A_3 {offsets = [0, 37500], sizes = [16, 12500], strides = [1, 1]} : vector<16x100000xf32> to vector<16x12500xf32>
    %slice3A_7 = vector.extract_strided_slice %get3A_3 {offsets = [0, 50000], sizes = [16, 12500], strides = [1, 1]} : vector<16x100000xf32> to vector<16x12500xf32>
    %slice3A_8 = vector.extract_strided_slice %get3A_3 {offsets = [0, 62500], sizes = [16, 12500], strides = [1, 1]} : vector<16x100000xf32> to vector<16x12500xf32>
    %slice3A_9 = vector.extract_strided_slice %get3A_3 {offsets = [0, 75000], sizes = [16, 12500], strides = [1, 1]} : vector<16x100000xf32> to vector<16x12500xf32>
    %slice3A_10 = vector.extract_strided_slice %get3A_3 {offsets = [0, 87500], sizes = [16, 12500], strides = [1, 1]} : vector<16x100000xf32> to vector<16x12500xf32>
    %concatenate3A = tpu.concatenate %slice3A, %slice3A_4, %slice3A_5, %slice3A_6, %slice3A_7, %slice3A_8, %slice3A_9, %slice3A_10 in 0 : vector<16x12500xf32>, vector<16x12500xf32>, vector<16x12500xf32>, vector<16x12500xf32>, vector<16x12500xf32>, vector<16x12500xf32>, vector<16x12500xf32>, vector<16x12500xf32> -> vector<128x12500xf32>
    %get3A_11 = arith.constant 0 : index
    %get3A_12 = arith.constant 0 : index
    %get3A_13 = vector.load %arg2[%get3A_11, %get3A_12] : memref<128x128xf32, #tpu.memory_space<vmem>>, vector<128x128xf32>
    %dot_general3A = arith.constant dense<0.000000e+00> : vector<12500x128xf32>
    %dot_general3A_14 = tpu.matmul %concatenate3A, %get3A_13, %dot_general3A {dimension_numbers = #tpu.dot_dimension_numbers<[0], [0], [1], [1], [0, 1, 1, 1], [], []>, transpose_lhs_hint = false} : vector<128x12500xf32>, vector<128x128xf32>, vector<12500x128xf32> -> vector<12500x128xf32>
    %swap3A = arith.constant 0 : index
    %swap3A_15 = arith.constant 0 : index
    %swap3A_16 = arith.constant 0 : index
    %swap3A_17 = vector.load %arg3[%swap3A, %swap3A_15, %swap3A_16] : memref<1x12504x128xf32, #tpu.memory_space<vmem>>, vector<1x12500x128xf32>
    %swap3A_18 = vector.shape_cast %swap3A_17 : vector<1x12500x128xf32> to vector<12500x128xf32>
    %swap3A_19 = vector.shape_cast %dot_general3A_14 : vector<12500x128xf32> to vector<1x12500x128xf32>
    tpu.vector_store %arg3[%swap3A, %swap3A_15, %swap3A_16], %swap3A_19 {strides = array<i32>} : memref<1x12504x128xf32, #tpu.memory_space<vmem>>, vector<1x12500x128xf32>,
    return
  }
  func.func @transform_0(%arg0: i32) -> (i32, i32, i32) {
    %add3A = arith.constant 10 : i32
    %add3A_0 = arith.addi %arg0, %add3A : i32
    %c0_i32 = arith.constant 0 : i32
    %c0_i32_1 = arith.constant 0 : i32
    %c0_i32_2 = arith.constant 0 : i32
    return %add3A_0, %c0_i32, %c0_i32_1 : i32, i32, i32
  }
  func.func @transform_1(%arg0: i32) -> (i32, i32) {
    %c0_i32 = arith.constant 0 : i32
    %c0_i32_0 = arith.constant 0 : i32
    %c0_i32_1 = arith.constant 0 : i32
    return %c0_i32, %c0_i32_0 : i32, i32
  }
  func.func @transform_2(%arg0: i32) -> (i32, i32, i32) {
    %c0_i32 = arith.constant 0 : i32
    %c0_i32_0 = arith.constant 0 : i32
    %c0_i32_1 = arith.constant 0 : i32
    return %arg0, %c0_i32, %c0_i32_0 : i32, i32, i32
  }
}

module attributes {stable_mosaic.version = 14 : i64} {
  func.func @_transpose_body(%arg0: i32, %arg1: memref<1x16x100000xf32, #tpu.memory_space<vmem>>, %arg2: memref<128x128xf32, #tpu.memory_space<vmem>>, %arg3: memref<1x12504x128xf32, #tpu.memory_space<vmem>>) attributes {dimension_semantics = [#tpu.dimension_semantics<arbitrary>], iteration_bounds = array<i64: 8>, scalar_prefetch = 0 : i64, scratch_operands = 0 : i64, tpu.core_type = #tpu.core_type<tc>, window_params = [{transform_indices = @transform_0, window_bounds = array<i64: 1, 16, 100000>}, {pipeline_mode = #tpu.pipeline_mode<synchronous>, transform_indices = @transform_1, window_bounds = array<i64: 128, 128>}, {transform_indices = @transform_2, window_bounds = array<i64: 1, 12504, 128>}]} {
    %get3A = arith.constant 0 : index
    %get3A_0 = arith.constant 0 : index
    %get3A_1 = arith.constant 0 : index
    %get3A_2 = vector.load %arg1[%get3A, %get3A_0, %get3A_1] : memref<1x16x100000xf32, #tpu.memory_space<vmem>>, vector<1x16x100000xf32>
    %get3A_3 = vector.shape_cast %get3A_2 : vector<1x16x100000xf32> to vector<16x100000xf32>
    %slice3A = vector.extract_strided_slice %get3A_3 {offsets = [0, 0], sizes = [16, 12500], strides = [1, 1]} : vector<16x100000xf32> to vector<16x12500xf32>
    %slice3A_4 = vector.extract_strided_slice %get3A_3 {offsets = [0, 12500], sizes = [16, 12500], strides = [1, 1]} : vector<16x100000xf32> to vector<16x12500xf32>
    %slice3A_5 = vector.extract_strided_slice %get3A_3 {offsets = [0, 25000], sizes = [16, 12500], strides = [1, 1]} : vector<16x100000xf32> to vector<16x12500xf32>
    %slice3A_6 = vector.extract_strided_slice %get3A_3 {offsets = [0, 37500], sizes = [16, 12500], strides = [1, 1]} : vector<16x100000xf32> to vector<16x12500xf32>
    %slice3A_7 = vector.extract_strided_slice %get3A_3 {offsets = [0, 50000], sizes = [16, 12500], strides = [1, 1]} : vector<16x100000xf32> to vector<16x12500xf32>
    %slice3A_8 = vector.extract_strided_slice %get3A_3 {offsets = [0, 62500], sizes = [16, 12500], strides = [1, 1]} : vector<16x100000xf32> to vector<16x12500xf32>
    %slice3A_9 = vector.extract_strided_slice %get3A_3 {offsets = [0, 75000], sizes = [16, 12500], strides = [1, 1]} : vector<16x100000xf32> to vector<16x12500xf32>
    %slice3A_10 = vector.extract_strided_slice %get3A_3 {offsets = [0, 87500], sizes = [16, 12500], strides = [1, 1]} : vector<16x100000xf32> to vector<16x12500xf32>
    %concatenate3A = tpu.concatenate %slice3A, %slice3A_4, %slice3A_5, %slice3A_6, %slice3A_7, %slice3A_8, %slice3A_9, %slice3A_10 in 0 : vector<16x12500xf32>, vector<16x12500xf32>, vector<16x12500xf32>, vector<16x12500xf32>, vector<16x12500xf32>, vector<16x12500xf32>, vector<16x12500xf32>, vector<16x12500xf32> -> vector<128x12500xf32>
    %get3A_11 = arith.constant 0 : index
    %get3A_12 = arith.constant 0 : index
    %get3A_13 = vector.load %arg2[%get3A_11, %get3A_12] : memref<128x128xf32, #tpu.memory_space<vmem>>, vector<128x128xf32>
    %dot_general3A = arith.constant dense<0.000000e+00> : vector<12500x128xf32>
    %dot_general3A_14 = tpu.matmul %concatenate3A, %get3A_13, %dot_general3A {dimension_numbers = #tpu.dot_dimension_numbers<[0], [0], [1], [1], [0, 1, 1, 1], [], []>, transpose_lhs_hint = false} : vector<128x12500xf32>, vector<128x128xf32>, vector<12500x128xf32> -> vector<12500x128xf32>
    %swap3A = arith.constant 0 : index
    %swap3A_15 = arith.constant 0 : index
    %swap3A_16 = arith.constant 0 : index
    %swap3A_17 = vector.load %arg3[%swap3A, %swap3A_15, %swap3A_16] : memref<1x12504x128xf32, #tpu.memory_space<vmem>>, vector<1x12500x128xf32>
    %swap3A_18 = vector.shape_cast %swap3A_17 : vector<1x12500x128xf32> to vector<12500x128xf32>
    %swap3A_19 = vector.shape_cast %dot_general3A_14 : vector<12500x128xf32> to vector<1x12500x128xf32>
    tpu.vector_store %arg3[%swap3A, %swap3A_15, %swap3A_16], %swap3A_19 {strides = array<i32>} : memref<1x12504x128xf32, #tpu.memory_space<vmem>>, vector<1x12500x128xf32>,
    return
  }
  func.func @transform_0(%arg0: i32) -> (i32, i32, i32) {
    %add3A = arith.constant 18 : i32
    %add3A_0 = arith.addi %arg0, %add3A : i32
    %c0_i32 = arith.constant 0 : i32
    %c0_i32_1 = arith.constant 0 : i32
    %c0_i32_2 = arith.constant 0 : i32
    return %add3A_0, %c0_i32, %c0_i32_1 : i32, i32, i32
  }
  func.func @transform_1(%arg0: i32) -> (i32, i32) {
    %c0_i32 = arith.constant 0 : i32
    %c0_i32_0 = arith.constant 0 : i32
    %c0_i32_1 = arith.constant 0 : i32
    return %c0_i32, %c0_i32_0 : i32, i32
  }
  func.func @transform_2(%arg0: i32) -> (i32, i32, i32) {
    %c0_i32 = arith.constant 0 : i32
    %c0_i32_0 = arith.constant 0 : i32
    %c0_i32_1 = arith.constant 0 : i32
    return %arg0, %c0_i32, %c0_i32_0 : i32, i32, i32
  }
}

module attributes {stable_mosaic.version = 14 : i64} {
  func.func @_transpose_body(%arg0: i32, %arg1: memref<1x16x100000xf32, #tpu.memory_space<vmem>>, %arg2: memref<128x128xf32, #tpu.memory_space<vmem>>, %arg3: memref<1x12504x128xf32, #tpu.memory_space<vmem>>) attributes {dimension_semantics = [#tpu.dimension_semantics<arbitrary>], iteration_bounds = array<i64: 2>, scalar_prefetch = 0 : i64, scratch_operands = 0 : i64, tpu.core_type = #tpu.core_type<tc>, window_params = [{transform_indices = @transform_0, window_bounds = array<i64: 1, 16, 100000>}, {pipeline_mode = #tpu.pipeline_mode<synchronous>, transform_indices = @transform_1, window_bounds = array<i64: 128, 128>}, {transform_indices = @transform_2, window_bounds = array<i64: 1, 12504, 128>}]} {
    %get3A = arith.constant 0 : index
    %get3A_0 = arith.constant 0 : index
    %get3A_1 = arith.constant 0 : index
    %get3A_2 = vector.load %arg1[%get3A, %get3A_0, %get3A_1] : memref<1x16x100000xf32, #tpu.memory_space<vmem>>, vector<1x16x100000xf32>
    %get3A_3 = vector.shape_cast %get3A_2 : vector<1x16x100000xf32> to vector<16x100000xf32>
    %slice3A = vector.extract_strided_slice %get3A_3 {offsets = [0, 0], sizes = [16, 12500], strides = [1, 1]} : vector<16x100000xf32> to vector<16x12500xf32>
    %slice3A_4 = vector.extract_strided_slice %get3A_3 {offsets = [0, 12500], sizes = [16, 12500], strides = [1, 1]} : vector<16x100000xf32> to vector<16x12500xf32>
    %slice3A_5 = vector.extract_strided_slice %get3A_3 {offsets = [0, 25000], sizes = [16, 12500], strides = [1, 1]} : vector<16x100000xf32> to vector<16x12500xf32>
    %slice3A_6 = vector.extract_strided_slice %get3A_3 {offsets = [0, 37500], sizes = [16, 12500], strides = [1, 1]} : vector<16x100000xf32> to vector<16x12500xf32>
    %slice3A_7 = vector.extract_strided_slice %get3A_3 {offsets = [0, 50000], sizes = [16, 12500], strides = [1, 1]} : vector<16x100000xf32> to vector<16x12500xf32>
    %slice3A_8 = vector.extract_strided_slice %get3A_3 {offsets = [0, 62500], sizes = [16, 12500], strides = [1, 1]} : vector<16x100000xf32> to vector<16x12500xf32>
    %slice3A_9 = vector.extract_strided_slice %get3A_3 {offsets = [0, 75000], sizes = [16, 12500], strides = [1, 1]} : vector<16x100000xf32> to vector<16x12500xf32>
    %slice3A_10 = vector.extract_strided_slice %get3A_3 {offsets = [0, 87500], sizes = [16, 12500], strides = [1, 1]} : vector<16x100000xf32> to vector<16x12500xf32>
    %concatenate3A = tpu.concatenate %slice3A, %slice3A_4, %slice3A_5, %slice3A_6, %slice3A_7, %slice3A_8, %slice3A_9, %slice3A_10 in 0 : vector<16x12500xf32>, vector<16x12500xf32>, vector<16x12500xf32>, vector<16x12500xf32>, vector<16x12500xf32>, vector<16x12500xf32>, vector<16x12500xf32>, vector<16x12500xf32> -> vector<128x12500xf32>
    %get3A_11 = arith.constant 0 : index
    %get3A_12 = arith.constant 0 : index
    %get3A_13 = vector.load %arg2[%get3A_11, %get3A_12] : memref<128x128xf32, #tpu.memory_space<vmem>>, vector<128x128xf32>
    %dot_general3A = arith.constant dense<0.000000e+00> : vector<12500x128xf32>
    %dot_general3A_14 = tpu.matmul %concatenate3A, %get3A_13, %dot_general3A {dimension_numbers = #tpu.dot_dimension_numbers<[0], [0], [1], [1], [0, 1, 1, 1], [], []>, transpose_lhs_hint = false} : vector<128x12500xf32>, vector<128x128xf32>, vector<12500x128xf32> -> vector<12500x128xf32>
    %swap3A = arith.constant 0 : index
    %swap3A_15 = arith.constant 0 : index
    %swap3A_16 = arith.constant 0 : index
    %swap3A_17 = vector.load %arg3[%swap3A, %swap3A_15, %swap3A_16] : memref<1x12504x128xf32, #tpu.memory_space<vmem>>, vector<1x12500x128xf32>
    %swap3A_18 = vector.shape_cast %swap3A_17 : vector<1x12500x128xf32> to vector<12500x128xf32>
    %swap3A_19 = vector.shape_cast %dot_general3A_14 : vector<12500x128xf32> to vector<1x12500x128xf32>
    tpu.vector_store %arg3[%swap3A, %swap3A_15, %swap3A_16], %swap3A_19 {strides = array<i32>} : memref<1x12504x128xf32, #tpu.memory_space<vmem>>, vector<1x12500x128xf32>,
    return
  }
  func.func @transform_0(%arg0: i32) -> (i32, i32, i32) {
    %add3A = arith.constant 0 : i32
    %add3A_0 = arith.addi %arg0, %add3A : i32
    %c0_i32 = arith.constant 0 : i32
    %c0_i32_1 = arith.constant 0 : i32
    %c0_i32_2 = arith.constant 0 : i32
    return %add3A_0, %c0_i32, %c0_i32_1 : i32, i32, i32
  }
  func.func @transform_1(%arg0: i32) -> (i32, i32) {
    %c0_i32 = arith.constant 0 : i32
    %c0_i32_0 = arith.constant 0 : i32
    %c0_i32_1 = arith.constant 0 : i32
    return %c0_i32, %c0_i32_0 : i32, i32
  }
  func.func @transform_2(%arg0: i32) -> (i32, i32, i32) {
    %c0_i32 = arith.constant 0 : i32
    %c0_i32_0 = arith.constant 0 : i32
    %c0_i32_1 = arith.constant 0 : i32
    return %arg0, %c0_i32, %c0_i32_0 : i32, i32, i32
  }
}

module attributes {stable_mosaic.version = 14 : i64} {
  func.func @_mlp_body(%arg0: i32, %arg1: memref<2048x128xf32, #tpu.memory_space<vmem>>, %arg2: memref<2048x128xf32, #tpu.memory_space<vmem>>, %arg3: memref<2048x128xf32, #tpu.memory_space<vmem>>, %arg4: memref<2048x128xf32, #tpu.memory_space<vmem>>, %arg5: memref<13x2048xf32, #tpu.memory_space<vmem>>, %arg6: memref<128x128xf32, #tpu.memory_space<vmem>>, %arg7: memref<128x128xf32, #tpu.memory_space<vmem>>, %arg8: memref<128x128xf32, #tpu.memory_space<vmem>>, %arg9: memref<128x128xf32, #tpu.memory_space<vmem>>, %arg10: memref<13x128xf32, #tpu.memory_space<vmem>>, %arg11: memref<1x128xf32, #tpu.memory_space<vmem>>, %arg12: memref<128x64xf32, #tpu.memory_space<vmem>>, %arg13: memref<1x64xf32, #tpu.memory_space<vmem>>, %arg14: memref<64x2xf32, #tpu.memory_space<vmem>>, %arg15: memref<1x2xf32, #tpu.memory_space<vmem>>, %arg16: memref<2x2048xf32, #tpu.memory_space<vmem>>) attributes {dimension_semantics = [#tpu.dimension_semantics<arbitrary>], iteration_bounds = array<i64: 8>, scalar_prefetch = 0 : i64, scratch_operands = 0 : i64, tpu.core_type = #tpu.core_type<tc>, window_params = [{transform_indices = @transform_0, window_bounds = array<i64: 2048, 128>}, {transform_indices = @transform_1, window_bounds = array<i64: 2048, 128>}, {transform_indices = @transform_2, window_bounds = array<i64: 2048, 128>}, {transform_indices = @transform_3, window_bounds = array<i64: 2048, 128>}, {transform_indices = @transform_4, window_bounds = array<i64: 13, 2048>}, {pipeline_mode = #tpu.pipeline_mode<synchronous>, transform_indices = @transform_5, window_bounds = array<i64: 128, 128>}, {pipeline_mode = #tpu.pipeline_mode<synchronous>, transform_indices = @transform_6, window_bounds = array<i64: 128, 128>}, {pipeline_mode = #tpu.pipeline_mode<synchronous>, transform_indices = @transform_7, window_bounds = array<i64: 128, 128>}, {pipeline_mode = #tpu.pipeline_mode<synchronous>, transform_indices = @transform_8, window_bounds = array<i64: 128, 128>}, {pipeline_mode = #tpu.pipeline_mode<synchronous>, transform_indices = @transform_9, window_bounds = array<i64: 13, 128>}, {pipeline_mode = #tpu.pipeline_mode<synchronous>, transform_indices = @transform_10, window_bounds = array<i64: 1, 128>}, {pipeline_mode = #tpu.pipeline_mode<synchronous>, transform_indices = @transform_11, window_bounds = array<i64: 128, 64>}, {pipeline_mode = #tpu.pipeline_mode<synchronous>, transform_indices = @transform_12, window_bounds = array<i64: 1, 64>}, {pipeline_mode = #tpu.pipeline_mode<synchronous>, transform_indices = @transform_13, window_bounds = array<i64: 64, 2>}, {pipeline_mode = #tpu.pipeline_mode<synchronous>, transform_indices = @transform_14, window_bounds = array<i64: 1, 2>}, {transform_indices = @transform_15, window_bounds = array<i64: 2, 2048>}]} {
    %get3A = arith.constant 0 : index
    %get3A_0 = arith.constant 0 : index
    %get3A_1 = vector.load %arg1[%get3A, %get3A_0] : memref<2048x128xf32, #tpu.memory_space<vmem>>, vector<2048x128xf32>
    %get3A_2 = arith.constant 0 : index
    %get3A_3 = arith.constant 0 : index
    %get3A_4 = vector.load %arg6[%get3A_2, %get3A_3] : memref<128x128xf32, #tpu.memory_space<vmem>>, vector<128x128xf32>
    %dot_general3A = arith.constant dense<0.000000e+00> : vector<2048x128xf32>
    %dot_general3A_5 = tpu.matmul %get3A_1, %get3A_4, %dot_general3A {dimension_numbers = #tpu.dot_dimension_numbers<[1], [0], [0], [1], [0, 0, 1, 1], [], []>, transpose_lhs_hint = false} : vector<2048x128xf32>, vector<128x128xf32>, vector<2048x128xf32> -> vector<2048x128xf32>
    %get3A_6 = arith.constant 0 : index
    %get3A_7 = arith.constant 0 : index
    %get3A_8 = vector.load %arg2[%get3A_6, %get3A_7] : memref<2048x128xf32, #tpu.memory_space<vmem>>, vector<2048x128xf32>
    %get3A_9 = arith.constant 0 : index
    %get3A_10 = arith.constant 0 : index
    %get3A_11 = vector.load %arg7[%get3A_9, %get3A_10] : memref<128x128xf32, #tpu.memory_space<vmem>>, vector<128x128xf32>
    %dot_general3A_12 = arith.constant dense<0.000000e+00> : vector<2048x128xf32>
    %dot_general3A_13 = tpu.matmul %get3A_8, %get3A_11, %dot_general3A_12 {dimension_numbers = #tpu.dot_dimension_numbers<[1], [0], [0], [1], [0, 0, 1, 1], [], []>, transpose_lhs_hint = false} : vector<2048x128xf32>, vector<128x128xf32>, vector<2048x128xf32> -> vector<2048x128xf32>
    %add3A = arith.addf %dot_general3A_5, %dot_general3A_13 : vector<2048x128xf32>
    %get3A_14 = arith.constant 0 : index
    %get3A_15 = arith.constant 0 : index
    %get3A_16 = vector.load %arg3[%get3A_14, %get3A_15] : memref<2048x128xf32, #tpu.memory_space<vmem>>, vector<2048x128xf32>
    %get3A_17 = arith.constant 0 : index
    %get3A_18 = arith.constant 0 : index
    %get3A_19 = vector.load %arg8[%get3A_17, %get3A_18] : memref<128x128xf32, #tpu.memory_space<vmem>>, vector<128x128xf32>
    %dot_general3A_20 = arith.constant dense<0.000000e+00> : vector<2048x128xf32>
    %dot_general3A_21 = tpu.matmul %get3A_16, %get3A_19, %dot_general3A_20 {dimension_numbers = #tpu.dot_dimension_numbers<[1], [0], [0], [1], [0, 0, 1, 1], [], []>, transpose_lhs_hint = false} : vector<2048x128xf32>, vector<128x128xf32>, vector<2048x128xf32> -> vector<2048x128xf32>
    %add3A_22 = arith.addf %add3A, %dot_general3A_21 : vector<2048x128xf32>
    %get3A_23 = arith.constant 0 : index
    %get3A_24 = arith.constant 0 : index
    %get3A_25 = vector.load %arg4[%get3A_23, %get3A_24] : memref<2048x128xf32, #tpu.memory_space<vmem>>, vector<2048x128xf32>
    %get3A_26 = arith.constant 0 : index
    %get3A_27 = arith.constant 0 : index
    %get3A_28 = vector.load %arg9[%get3A_26, %get3A_27] : memref<128x128xf32, #tpu.memory_space<vmem>>, vector<128x128xf32>
    %dot_general3A_29 = arith.constant dense<0.000000e+00> : vector<2048x128xf32>
    %dot_general3A_30 = tpu.matmul %get3A_25, %get3A_28, %dot_general3A_29 {dimension_numbers = #tpu.dot_dimension_numbers<[1], [0], [0], [1], [0, 0, 1, 1], [], []>, transpose_lhs_hint = false} : vector<2048x128xf32>, vector<128x128xf32>, vector<2048x128xf32> -> vector<2048x128xf32>
    %add3A_31 = arith.addf %add3A_22, %dot_general3A_30 : vector<2048x128xf32>
    %get3A_32 = arith.constant 0 : index
    %get3A_33 = arith.constant 0 : index
    %get3A_34 = vector.load %arg5[%get3A_32, %get3A_33] : memref<13x2048xf32, #tpu.memory_space<vmem>>, vector<13x2048xf32>
    %get3A_35 = arith.constant 0 : index
    %get3A_36 = arith.constant 0 : index
    %get3A_37 = vector.load %arg10[%get3A_35, %get3A_36] : memref<13x128xf32, #tpu.memory_space<vmem>>, vector<13x128xf32>
    %dot_general3A_38 = arith.constant dense<0.000000e+00> : vector<2048x128xf32>
    %dot_general3A_39 = tpu.matmul %get3A_34, %get3A_37, %dot_general3A_38 {dimension_numbers = #tpu.dot_dimension_numbers<[0], [0], [1], [1], [0, 1, 1, 1], [], []>, transpose_lhs_hint = false} : vector<13x2048xf32>, vector<13x128xf32>, vector<2048x128xf32> -> vector<2048x128xf32>
    %add3A_40 = arith.addf %add3A_31, %dot_general3A_39 : vector<2048x128xf32>
    %get3A_41 = arith.constant 0 : index
    %get3A_42 = arith.constant 0 : index
    %get3A_43 = vector.load %arg11[%get3A_41, %get3A_42] : memref<1x128xf32, #tpu.memory_space<vmem>>, vector<1x128xf32>
    %add3A_44 = vector.broadcast %get3A_43 : vector<1x128xf32> to vector<2048x128xf32>
    %add3A_45 = arith.addf %add3A_40, %add3A_44 : vector<2048x128xf32>
    %max3A = arith.constant 0.000000e+00 : f32
    %max3A_46 = vector.broadcast %max3A : f32 to vector<2048x128xf32>
    %max3A_47 = arith.maximumf %add3A_45, %max3A_46 : vector<2048x128xf32>
    %get3A_48 = arith.constant 0 : index
    %get3A_49 = arith.constant 0 : index
    %get3A_50 = vector.load %arg12[%get3A_48, %get3A_49] : memref<128x64xf32, #tpu.memory_space<vmem>>, vector<128x64xf32>
    %dot_general3A_51 = arith.constant dense<0.000000e+00> : vector<2048x64xf32>
    %dot_general3A_52 = tpu.matmul %max3A_47, %get3A_50, %dot_general3A_51 {dimension_numbers = #tpu.dot_dimension_numbers<[1], [0], [0], [1], [0, 0, 1, 1], [], []>, transpose_lhs_hint = false} : vector<2048x128xf32>, vector<128x64xf32>, vector<2048x64xf32> -> vector<2048x64xf32>
    %get3A_53 = arith.constant 0 : index
    %get3A_54 = arith.constant 0 : index
    %get3A_55 = vector.load %arg13[%get3A_53, %get3A_54] : memref<1x64xf32, #tpu.memory_space<vmem>>, vector<1x64xf32>
    %add3A_56 = vector.broadcast %get3A_55 : vector<1x64xf32> to vector<2048x64xf32>
    %add3A_57 = arith.addf %dot_general3A_52, %add3A_56 : vector<2048x64xf32>
    %max3A_58 = arith.constant 0.000000e+00 : f32
    %max3A_59 = vector.broadcast %max3A_58 : f32 to vector<2048x64xf32>
    %max3A_60 = arith.maximumf %add3A_57, %max3A_59 : vector<2048x64xf32>
    %get3A_61 = arith.constant 0 : index
    %get3A_62 = arith.constant 0 : index
    %get3A_63 = vector.load %arg14[%get3A_61, %get3A_62] : memref<64x2xf32, #tpu.memory_space<vmem>>, vector<64x2xf32>
    %dot_general3A_64 = arith.constant dense<0.000000e+00> : vector<2048x2xf32>
    %dot_general3A_65 = tpu.matmul %max3A_60, %get3A_63, %dot_general3A_64 {dimension_numbers = #tpu.dot_dimension_numbers<[1], [0], [0], [1], [0, 0, 1, 1], [], []>, transpose_lhs_hint = false} : vector<2048x64xf32>, vector<64x2xf32>, vector<2048x2xf32> -> vector<2048x2xf32>
    %get3A_66 = arith.constant 0 : index
    %get3A_67 = arith.constant 0 : index
    %get3A_68 = vector.load %arg15[%get3A_66, %get3A_67] : memref<1x2xf32, #tpu.memory_space<vmem>>, vector<1x2xf32>
    %add3A_69 = vector.broadcast %get3A_68 : vector<1x2xf32> to vector<2048x2xf32>
    %add3A_70 = arith.addf %dot_general3A_65, %add3A_69 : vector<2048x2xf32>
    %transpose3A = tpu.transpose %add3A_70, [1, 0] : vector<2048x2xf32> -> vector<2x2048xf32>
    %swap3A = arith.constant 0 : index
    %swap3A_71 = arith.constant 0 : index
    %swap3A_72 = vector.load %arg16[%swap3A, %swap3A_71] : memref<2x2048xf32, #tpu.memory_space<vmem>>, vector<2x2048xf32>
    tpu.vector_store %arg16[%swap3A, %swap3A_71], %transpose3A {strides = array<i32>} : memref<2x2048xf32, #tpu.memory_space<vmem>>, vector<2x2048xf32>,
    return
  }
  func.func @transform_0(%arg0: i32) -> (i32, i32) {
    %c0_i32 = arith.constant 0 : i32
    %c0_i32_0 = arith.constant 0 : i32
    return %arg0, %c0_i32 : i32, i32
  }
  func.func @transform_1(%arg0: i32) -> (i32, i32) {
    %c0_i32 = arith.constant 0 : i32
    %c0_i32_0 = arith.constant 0 : i32
    return %arg0, %c0_i32 : i32, i32
  }
  func.func @transform_2(%arg0: i32) -> (i32, i32) {
    %c0_i32 = arith.constant 0 : i32
    %c0_i32_0 = arith.constant 0 : i32
    return %arg0, %c0_i32 : i32, i32
  }
  func.func @transform_3(%arg0: i32) -> (i32, i32) {
    %c0_i32 = arith.constant 0 : i32
    %c0_i32_0 = arith.constant 0 : i32
    return %arg0, %c0_i32 : i32, i32
  }
  func.func @transform_4(%arg0: i32) -> (i32, i32) {
    %c0_i32 = arith.constant 0 : i32
    %c0_i32_0 = arith.constant 0 : i32
    return %c0_i32, %arg0 : i32, i32
  }
  func.func @transform_5(%arg0: i32) -> (i32, i32) {
    %c0_i32 = arith.constant 0 : i32
    %c0_i32_0 = arith.constant 0 : i32
    %c0_i32_1 = arith.constant 0 : i32
    return %c0_i32, %c0_i32_0 : i32, i32
  }
  func.func @transform_6(%arg0: i32) -> (i32, i32) {
    %c0_i32 = arith.constant 0 : i32
    %c0_i32_0 = arith.constant 0 : i32
    %c0_i32_1 = arith.constant 0 : i32
    return %c0_i32, %c0_i32_0 : i32, i32
  }
  func.func @transform_7(%arg0: i32) -> (i32, i32) {
    %c0_i32 = arith.constant 0 : i32
    %c0_i32_0 = arith.constant 0 : i32
    %c0_i32_1 = arith.constant 0 : i32
    return %c0_i32, %c0_i32_0 : i32, i32
  }
  func.func @transform_8(%arg0: i32) -> (i32, i32) {
    %c0_i32 = arith.constant 0 : i32
    %c0_i32_0 = arith.constant 0 : i32
    %c0_i32_1 = arith.constant 0 : i32
    return %c0_i32, %c0_i32_0 : i32, i32
  }
  func.func @transform_9(%arg0: i32) -> (i32, i32) {
    %c0_i32 = arith.constant 0 : i32
    %c0_i32_0 = arith.constant 0 : i32
    %c0_i32_1 = arith.constant 0 : i32
    return %c0_i32, %c0_i32_0 : i32, i32
  }
  func.func @transform_10(%arg0: i32) -> (i32, i32) {
    %c0_i32 = arith.constant 0 : i32
    %c0_i32_0 = arith.constant 0 : i32
    %c0_i32_1 = arith.constant 0 : i32
    return %c0_i32, %c0_i32_0 : i32, i32
  }
  func.func @transform_11(%arg0: i32) -> (i32, i32) {
    %c0_i32 = arith.constant 0 : i32
    %c0_i32_0 = arith.constant 0 : i32
    %c0_i32_1 = arith.constant 0 : i32
    return %c0_i32, %c0_i32_0 : i32, i32
  }
  func.func @transform_12(%arg0: i32) -> (i32, i32) {
    %c0_i32 = arith.constant 0 : i32
    %c0_i32_0 = arith.constant 0 : i32
    %c0_i32_1 = arith.constant 0 : i32
    return %c0_i32, %c0_i32_0 : i32, i32
  }
  func.func @transform_13(%arg0: i32) -> (i32, i32) {
    %c0_i32 = arith.constant 0 : i32
    %c0_i32_0 = arith.constant 0 : i32
    %c0_i32_1 = arith.constant 0 : i32
    return %c0_i32, %c0_i32_0 : i32, i32
  }
  func.func @transform_14(%arg0: i32) -> (i32, i32) {
    %c0_i32 = arith.constant 0 : i32
    %c0_i32_0 = arith.constant 0 : i32
    %c0_i32_1 = arith.constant 0 : i32
    return %c0_i32, %c0_i32_0 : i32, i32
  }
  func.func @transform_15(%arg0: i32) -> (i32, i32) {
    %c0_i32 = arith.constant 0 : i32
    %c0_i32_0 = arith.constant 0 : i32
    return %c0_i32, %arg0 : i32, i32
  }
}

</mosaic_0001>

<sc_bundles>
// kernel: kernel.11.cloned.1.call-start
scs
__scs_entry_jumppad:
0x0: {  	(pc) =	sbr.rel $0x88, $3  }
0x1: {  	(tag) =	ssettag $0x0;
	lr =	simm.s32 $0x1  }
0x2: {  	[smem:$0x3F98] =	sst lr;
	_ =	strace $0xD0000000  }
0x3: {  	_ = 	snop  }
0x4: {  	_ = 	snop  }
0x5: {  	_ = 	snop  }
0x6: {  	_ = 	snop  }
0x7: {  	_ = 	snop  }
__scs_overlays_trampoline_lowered:
0x8: {  	[smem:$0x3FA7] =	sst s0  }
0x9: {  	[smem:$0x3FA8] =	sst s1  }
0xa: {  	[smem:$0x3FA9] =	sst s2  }
0xb: {  	[smem:$0x3FAA] =	sst s3  }
0xc: {  	[smem:$0x3FAB] =	sst s4  }
0xd: {  	[smem:$0x3FAC] =	sst s5  }
0xe: {  	[smem:$0x3FAD] =	sst s6  }
0xf: {  	[smem:$0x3FAE] =	sst s7  }
0x10: {  	[smem:$0x3FAF] =	sst s8  }
0x11: {  	[smem:$0x3FB0] =	sst s9;
	s0 =	simm.s32 @!p0 $0x0  }
0x12: {  	s1 =	sld [smem:$0x3F96];
	s0 =	simm.s32 @p0 $0x1  }
0x13: {  	[smem:$0x3FB1] =	sst s0;
	s0 =	simm.s32 @!p1 $0x0  }
0x14: {  	s2 =	sld [smem:$0x3F95];
	s0 =	simm.s32 @p1 $0x1  }
0x15: {  	[smem:$0x3FB2] =	sst s0;
	s0 =	simm.s32 @!p2 $0x0  }
0x16: {  	s3 =	sld [smem:$0x3FDB];
	s0 =	simm.s32 @p2 $0x1  }
0x17: {  	s4 =	simm.s32 $0x1BF5;
	[smem:$0x3FB4] =	sst s0  }
0x18: {  	s0 =	sld [smem:$0x3F97];
	_ =	swait.ge [sflag:s4], $0x0  }
0x19: {  	s7 =	sld [smem:$0x3F98]  }
0x1a: {  	s8 =	sadd.s32 $0xFFFFE003, lr  }
0x1b: {  	s9 =	sadd.s32 $0xFFFFFEF7, lr;
	s5 =	simm.s32 $0xFFFFFFFF;
	p2 =	slt.u32 s8, $0xFFFFF086  }
0x1c: {  	p1 =	slt.u32 s9, $0xF7A;
	s5 =	simm.s32 @!p2 $0x0  }
0x1d: {  	s5 =	simm.s32 @p1 $0x1;
	p0 =	seq.s32 s7, s2  }
0x1e: {  	s7 =	smul.u32 @!p0 $0xF7A, s2;
	p2 =	seq.s32 @!p0 s5, $0x0  }
0x1f: {  	s9 =	smul.u32 $0xF7A, s1;
	s8 =	simm.s32 @!p0 $0x1BF5;
	p2 =	por !p2, p0  }
0x20: {  	[sflag:s8] =	ssyncset.s32 @!p0 $0xFFFFF086;
	s6 =	sadd.s32 @!p0 s3, s7;
	s7 =	simm.s32 @!p0 $0x108  }
0x21: {  	s3 =	sadd.s32 s3, s9;
	s6 =	sadd.s32 @!p0 $0x88, s6;
	s7 =	simm.s32 @p2 $0x1082  }
0x22: {  	[simem:s7], [sflag:s8] =	dma.local @!p0 [hbm:s6], $0xF7A  }
0x23: {  	s9 =	sor.u32 $0xD0000000, s2;
	s6 =	simm.s32 $0x108;
	_ =	swait.ge @!p0 [sflag:s8], $0x0  }
0x24: {  	s3 =	sadd.s32 $0x88, s3;
	s6 =	simm.s32 @!p1 $0x1082;
	[sflag:s4] =	ssyncset.s32 $0xFFFFF086  }
0x25: {  	[simem:s6], [sflag:s4] =	dma.local [hbm:s3], $0xF7A  }
0x26: {  	[smem:$0x3F98] =	sst s1;
	(tag) =	ssettag s2;
	_ =	strace s9  }
0x27: {  	s1 =	sld [smem:$0x3FA8]  }
0x28: {  	s2 =	sld [smem:$0x3FA9]  }
0x29: {  	s4 =	sld [smem:$0x3FAB]  }
0x2a: {  	p0 =	seq.s32 s5, $0x0;
	s5 =	sld [smem:$0x3FAC]  }
0x2b: {  	s6 =	sld [smem:$0x3FAD]  }
0x2c: {  	s7 =	sld [smem:$0x3FAE]  }
0x2d: {  	s3 =	simm.s32 $0x108;
	s8 =	sld [smem:$0x3FAF]  }
0x2e: {  	s3 =	simm.s32 @!p0 $0x1082;
	s9 =	sld [smem:$0x3FB0]  }
0x2f: {  	lr =	sadd.s32 s0, s3;
	s0 =	sld [smem:$0x3FA7]  }
0x30: {  	s3 =	sld [smem:$0x3FAA]  }
0x31: {  	[smem:$0x3FB3] =	sst s10  }
0x32: {  	s10 =	sld [smem:$0x3FB1];
	_ =	sdelay $0x3  }
0x33: {  	p0 =	seq.s32 s10, $0x1;
	s10 =	sld [smem:$0x3FB3];
	_ =	sdelay $0x3  }
0x34: {  	[smem:$0x3FB3] =	sst s10  }
0x35: {  	s10 =	sld [smem:$0x3FB2];
	_ =	sdelay $0x3  }
0x36: {  	p1 =	seq.s32 s10, $0x1;
	s10 =	sld [smem:$0x3FB3];
	_ =	sdelay $0x3  }
0x37: {  	[smem:$0x3FB3] =	sst s10  }
0x38: {  	s10 =	sld [smem:$0x3FB4]  }
0x39: {  	_ = 	snop;
	(pc) =	sbr.ind lr, $3  }
0x3a: {  	_ = 	snop  }
0x3b: {  	_ = 	snop  }
0x3c: {  	p2 =	seq.s32 s10, $0x1;
	s10 =	sld [smem:$0x3FB3]  }
0x3d: {  	_ =	shalt  }
0x3e: {  	_ =	shalt  }
0x3f: {  	_ =	shalt  }
0x40: {  	_ =	shalt  }
0x41: {  	_ =	shalt  }
0x42: {  	_ =	shalt  }
0x43: {  	_ =	shalt  }
0x44: {  	_ =	shalt  }
0x45: {  	_ =	shalt  }
0x46: {  	_ =	shalt  }
0x47: {  	_ =	shalt  }
0x48: {  	_ =	shalt  }
0x49: {  	_ =	shalt  }
0x4a: {  	_ =	shalt  }
0x4b: {  	_ =	shalt  }
0x4c: {  	_ =	shalt  }
0x4d: {  	_ =	shalt  }
0x4e: {  	_ =	shalt  }
0x4f: {  	_ =	shalt  }
0x50: {  	_ =	shalt  }
0x51: {  	_ =	shalt  }
0x52: {  	_ =	shalt  }
0x53: {  	_ =	shalt  }
0x54: {  	_ =	shalt  }
0x55: {  	_ =	shalt  }
0x56: {  	_ =	shalt  }
0x57: {  	_ =	shalt  }
0x58: {  	_ =	shalt  }
0x59: {  	_ =	shalt  }
0x5a: {  	_ =	shalt  }
0x5b: {  	_ =	shalt  }
0x5c: {  	_ =	shalt  }
0x5d: {  	_ =	shalt  }
0x5e: {  	_ =	shalt  }
0x5f: {  	_ =	shalt  }
0x60: {  	_ =	shalt  }
0x61: {  	_ =	shalt  }
0x62: {  	_ =	shalt  }
0x63: {  	_ =	shalt  }
0x64: {  	_ =	shalt  }
0x65: {  	_ =	shalt  }
0x66: {  	_ =	shalt  }
0x67: {  	_ =	shalt  }
0x68: {  	_ =	shalt  }
0x69: {  	_ =	shalt  }
0x6a: {  	_ =	shalt  }
0x6b: {  	_ =	shalt  }
0x6c: {  	_ =	shalt  }
0x6d: {  	_ =	shalt  }
0x6e: {  	_ =	shalt  }
0x6f: {  	_ =	shalt  }
0x70: {  	_ =	shalt  }
0x71: {  	_ =	shalt  }
0x72: {  	_ =	shalt  }
0x73: {  	_ =	shalt  }
0x74: {  	_ =	shalt  }
0x75: {  	_ =	shalt  }
0x76: {  	_ =	shalt  }
0x77: {  	_ =	shalt  }
0x78: {  	_ =	shalt  }
0x79: {  	_ =	shalt  }
0x7a: {  	_ =	shalt  }
0x7b: {  	_ =	shalt  }
0x7c: {  	_ =	shalt  }
0x7d: {  	_ =	shalt  }
0x7e: {  	_ =	shalt  }
0x7f: {  	_ =	shalt  }
0x80: {  	_ =	shalt  }
0x81: {  	_ =	shalt  }
0x82: {  	_ =	shalt  }
0x83: {  	_ =	shalt  }
0x84: {  	_ =	shalt  }
0x85: {  	_ =	shalt  }
0x86: {  	_ =	shalt  }
0x87: {  	_ =	shalt  }
.Lfunc_end0:
.L_simem_size_0:
called_computation_lowered:
.L_overlay_start_0:
0x88: {  	s2 =	sld [smem:$0x3FD9]  }
0x89: {  	s3 =	sld [smem:$0x3FFE];
	_ =	sdelay $0x1  }
0x8a: {  	s1 =	srdreg.scid  }
0x8b: {  	s0 =	sand.u32 $0x1, s1  }
0x8c: {  	s17 =	sshll.u32 s0, $0xA;
	s2 =	sadd.s32 s3, s2  }
0x8d: {  	s2 =	sadd.s32 s2, s17  }
0x8e: {  	[smem:$0x3FBF] =	sst s2  }
0x8f: {  	_ = 	snop  }
0x90: {  	(tm) =	ssettm $0x1  }
0x91: {  	s18 =	sld [smem:$0x3FFB];
	_ =	sdelay $0x3  }
0x92: {  	_ =	strace s18  }
0x93: {  	s2 =	sld [smem:$0x3FFC];
	_ =	sdelay $0x3  }
0x94: {  	_ =	strace s2  }
0x95: {  	s2 =	sld [smem:$0x3FFD];
	_ =	sdelay $0x3  }
0x96: {  	_ =	strace s2  }
0x97: {  	_ =	strace $0x8FFFFFFF  }
0x98: {  	s19 =	sld [smem:$0x3FDB];
	_ =	sdelay $0x1  }
0x99: {  	s20 =	simm.s32 $_scs_section_size  }
0x9a: {  	s4 =	simm.s32 $_size__tile_overlayer_lowered;
	s5 =	simm.s32 $_tile_overlayer_lowered  }
0x9b: {  	s6 =	simm.s32 $0x1BFF;
	s21 =	sshll.u32 s5, $0x1;
	s3 =	sadd.s32 s20, s19  }
0x9c: {  	s22 =	simm.s32 $0x0;
	s4 =	sshll.u32 s4, $0x1;
	s5 =	sadd.s32 s21, s3  }
0x9d: {  	[timem:s22], [sflag:s6] =	dma.local [hbm:s5], s4  }
0x9e: {  	_ =	swait.ge [sflag:s6], s4  }
0x9f: {  	s4 =	ssub.s32 $0x0, s4;
	[sflag:s6] =	ssyncset.done $0x0  }
0xa0: {  	[sflag:s6] =	ssyncadd.s32 s4;
	_ =	sdelay $0x1  }
0xa1: {  	s23 =	simm.s32 $0x1B8B  }
0xa2: {  	_ =	swait.ge [sflag:s23], $0x1  }
0xa3: {  	[sflag:s23] =	ssyncset.done $0x0  }
0xa4: {  	[sflag:s23] =	ssyncadd.s32 $0xFFFFFFFF  }
0xa5: {  	s4 =	sld [smem:$0x0]  }
0xa6: {  	s5 =	sand.u32 $0xFFFFFFFE, s1  }
0xa7: {  	p0 =	sne.s32 s1, s5  }
0xa8: {  	s5 =	sshll.u32 @p0 s5, $0xE  }
0xa9: {  	s5 =	sadd.s32 @p0 $0x11B8D, s5;
	s6 =	sshll.u32 @p0 s4, $0x11  }
0xaa: {  	s5 =	sor.u32 @p0 s6, s5  }
0xab: {  	[sflag:s5] =	ssyncadd.remote.s32 @p0 $0x1;
	_ =	sdelay $0x1  }
0xac: {  	s5 =	simm.s32 @p0 $0x1B8D  }
0xad: {  	_ =	swait.eq @p0 [sflag:s5], $0x1  }
0xae: {  	[sflag:s5] =	ssyncadd.s32 @p0 $0xFFFFFFFF  }
0xaf: {  	s6 =	sshll.u32 @!p0 s1, $0xE  }
0xb0: {  	s6 =	sor.u32 @!p0 $0x4000, s6;
	s5 =	simm.s32 @!p0 $0x1B8D  }
0xb1: {  	s4 =	sshll.u32 @!p0 s4, $0x11;
	s6 =	sadd.s32 @!p0 $0x11B8D, s6;
	_ =	swait.eq @!p0 [sflag:s5], $0x1  }
0xb2: {  	s4 =	sor.u32 @!p0 s4, s6;
	[sflag:s5] =	ssyncadd.s32 @!p0 $0xFFFFFFFF  }
0xb3: {  	s25 =	simm.s32 $0x1B8E;
	s24 =	sld [smem:$0x3FFE];
	[sflag:s4] =	ssyncadd.remote.s32 @!p0 $0x1  }
0xb4: {  	s26 =	simm.s32 $execute0_lowered;
	[smem:$0x3FD2] =	sst s25  }
0xb5: {  	s5 =	sshll.u32 s26, $0x1;
	_ =	strace $0x8000004F;
	[dreg:$0x1] =	wrdreg $0xFFFFFFFF  }
0xb6: {  	s28 =	simm.s32 $_size_execute0_lowered;
	s3 =	sadd.s32 s3, s5;
	[dreg:$0x0] =	wrdreg $0x0  }
0xb7: {  	s5 =	sshll.u32 s28, $0x1;
	[dreg:$0x2] =	wrdreg s3  }
0xb8: {  	[dreg:$0x3] =	wrdreg s5  }
0xb9: {  	[dreg:$0x4] =	wrdreg $0xC0  }
0xba: {  	_ =	task [dreg:s22], $0x5FFFF  }
0xbb: {  	[dreg:$0x1] =	wrdreg $0xFFFFFFFF  }
0xbc: {  	[dreg:$0x0] =	wrdreg $0x60  }
0xbd: {  	[dreg:$0x2] =	wrdreg s24  }
0xbe: {  	[dreg:$0x3] =	wrdreg $0x9  }
0xbf: {  	_ =	task.clear_ibuf [dreg:s22], $0x4FFFF;
	_ =	strace $0x9000004F  }
0xc0: {  	s29 =	simm.s32 $0x9;
	_ =	strace $0x80000051  }
0xc1: {  	_ =	swait.ge [sflag:s29], $0x1  }
0xc2: {  	[sflag:s29] =	ssyncadd.s32 $0xFFFFFFFF  }
0xc3: {  	_ =	strace $0x90000051  }
0xc4: {  	_ =	sfence  }
0xc5: {  	s30 =	sld [smem:$0x0];
	_ =	sdelay $0x2  }
0xc6: {  	s31 =	sshll.u32 s1, $0xD;
	s1 =	sshrl.u32 s1, $0x2  }
0xc7: {  	s4 =	sand.u32 $0x4000, s31;
	s1 =	sadd.s32 s1, s30  }
0xc8: {  	s0 =	sor.u32 s4, s0;
	s1 =	sshll.u32 s1, $0x11  }
0xc9: {  	s0 =	sor.u32 s1, s0  }
0xca: {  	s0 =	sadd.s32 $0x8F2B, s0  }
0xcb: {  	[sflag:s0] =	ssyncadd.remote.s32 $0x1  }
0xcc: {  	_ =	sfence.sel $0xFFFF  }
0xcd: {  	[dreg:$0x0] =	wrdreg $0xFFFFFFFF;
	(pc) =	sbr.abs _section_cstart, $3  }
0xce: {  	[dreg:$0x1] =	wrdreg $0xFFFFFFFF  }
0xcf: {  	_ =	task.clear_ibuf [dreg:s22], $0x2FFFF;
	_ =	strace $0x9FFFFFFF  }
0xd0: {  	(tm) =	ssettm $0x7FFFFFFF  }
0xd1: {  	_ =	shalt  }
tec
execute0_lowered:
.L_overlay_start_1:
0x0: {  	(tag) =	ssettag $0x1  }
0x1: {  	s0 =	rddreg [dreg:$0x0];
	s1 =	srdreg.scid  }
0x2: {  	s2 =	simm.s32 $0x0;
	s6 =	stileid.u32;
	s7 =	simm.s32 $0x3  }
0x3: {  	s8 =	simm.s32 $0x80;
	s30 =	simm.s32 $0xC800;
	s31 =	simm.s32 $0xC00  }
0x4: {  	s9 =	simm.s32 $0xD800;
	s10 =	simm.s32 $0xD00;
	s11 =	simm.s32 $0xE000  }
0x5: {  	s12 =	simm.s32 $0xD80;
	s13 =	simm.s32 $0xE800;
	s14 =	simm.s32 $0xE00  }
0x6: {  	s15 =	simm.s32 $0xF000;
	s16 =	simm.s32 $0xE80;
	s17 =	simm.s32 $0xF800  }
0x7: {  	s18 =	simm.s32 $0xF00;
	s19 =	simm.s32 $0x10000;
	s20 =	simm.s32 $0xF80  }
0x8: {  	s21 =	simm.s32 $0x10800;
	s22 =	simm.s32 $0x1;
	s23 =	simm.s32 $0x10  }
0x9: {  	s24 =	simm.s32 $0x2;
	s25 =	simm.s32 $0x0;
	s1 =	sand.u32 $0x1, s1  }
0xa: {  	[smem:$0x7FF] =	sst s2;
	s3 =	sshll.u32 s6, $0x6;
	s4 =	sshll.u32 s1, $0x5  }
0xb: {  	s6 =	sand.u32 $0xE, s6;
	_ =	strace $0x80000050;
	s4 =	sor.u32 s4, s3  }
0xc: {  	s1 =	ssub.s32 $0x2, s1;
	s5 =	sshll.u32 s4, $0x4;
	s4 =	sshll.u32 s4, $0xB  }
0xd: {  	s3 =	sadd.s32 $0x573400, s0;
	s29 =	sshrl.u32 s1, $0x1;
	s4 =	sand.u32 $0x30000, s4  }
0xe: {  	s1 =	ssub.s32 s1, s29;
	s5 =	sadd.s32 s5, s0;
	s0 =	sadd.s32 s4, s0  }
0xf: {  	s4 =	sadd.s32 $0x3000, s5;
	s5 =	smax.u32 s1, $0x1;
	s0 =	sadd.s32 s6, s0  }
0x10: {  	s1 =	simm.s32 $0xC80;
	s6 =	sadd.s32 $0x5D5000, s0;
	s0 =	simm.s32 $0xD000  }
.LBB2_1:
0x11: {  	[tilespmem:s2], [sflag:$0x3] =	stream.linear.gather [hbm4b:s4+s2], $0x1000, $0x38;
	[tilespmem:$0x11000] =	vst v63  }
0x12: {  	_ =	swait.ge [sflag:s7], $0x1000  }
0x13: {  	[sflag:s7] =	ssyncset.done $0x0  }
0x14: {  	s26 =	simm.s32 $0x1000;
	[sflag:s7] =	ssyncadd.s32 $0xFFFFF000  }
0x15: {  	[tilespmem:s26], [sflag:$0x1] =	stream.indirect.gather [hbm4b:s3+s8], $0x10, s2, s8, $0xb8;
	[tilespmem:$0x11000] =	vst v63  }
0x16: {  	s28 =	simm.s32 $0x1800  }
0x17: {  	[tilespmem:s28], [sflag:$0x1] =	stream.indirect.gather [hbm4b:s3+s8], $0x10, s8, s8, $0xb8;
	[tilespmem:$0x11000] =	vst v63  }
0x18: {  	s29 =	simm.s32 $0x2000;
	s28 =	simm.s32 $0x100  }
0x19: {  	[tilespmem:s29], [sflag:$0x1] =	stream.indirect.gather [hbm4b:s3+s8], $0x10, s28, s8, $0xb8;
	[tilespmem:$0x11000] =	vst v63  }
0x1a: {  	s28 =	simm.s32 $0x180;
	s29 =	simm.s32 $0x2800  }
0x1b: {  	[tilespmem:s29], [sflag:$0x1] =	stream.indirect.gather [hbm4b:s3+s8], $0x10, s28, s8, $0xb8;
	[tilespmem:$0x11000] =	vst v63  }
0x1c: {  	s28 =	simm.s32 $0x200;
	s29 =	simm.s32 $0x3000  }
0x1d: {  	[tilespmem:s29], [sflag:$0x1] =	stream.indirect.gather [hbm4b:s3+s8], $0x10, s28, s8, $0xb8;
	[tilespmem:$0x11000] =	vst v63  }
0x1e: {  	s28 =	simm.s32 $0x280;
	s29 =	simm.s32 $0x3800  }
0x1f: {  	[tilespmem:s29], [sflag:$0x1] =	stream.indirect.gather [hbm4b:s3+s8], $0x10, s28, s8, $0xb8;
	[tilespmem:$0x11000] =	vst v63  }
0x20: {  	s28 =	simm.s32 $0x300;
	s29 =	simm.s32 $0x4000  }
0x21: {  	[tilespmem:s29], [sflag:$0x1] =	stream.indirect.gather [hbm4b:s3+s8], $0x10, s28, s8, $0xb8;
	[tilespmem:$0x11000] =	vst v63  }
0x22: {  	s28 =	simm.s32 $0x380;
	s29 =	simm.s32 $0x4800  }
0x23: {  	[tilespmem:s29], [sflag:$0x1] =	stream.indirect.gather [hbm4b:s3+s8], $0x10, s28, s8, $0xb8;
	[tilespmem:$0x11000] =	vst v63  }
0x24: {  	s28 =	simm.s32 $0x400;
	s29 =	simm.s32 $0x5000  }
0x25: {  	[tilespmem:s29], [sflag:$0x1] =	stream.indirect.gather [hbm4b:s3+s8], $0x10, s28, s8, $0xb8;
	[tilespmem:$0x11000] =	vst v63  }
0x26: {  	s28 =	simm.s32 $0x480;
	s29 =	simm.s32 $0x5800  }
0x27: {  	[tilespmem:s29], [sflag:$0x1] =	stream.indirect.gather [hbm4b:s3+s8], $0x10, s28, s8, $0xb8;
	[tilespmem:$0x11000] =	vst v63  }
0x28: {  	s28 =	simm.s32 $0x500;
	s29 =	simm.s32 $0x6000  }
0x29: {  	[tilespmem:s29], [sflag:$0x1] =	stream.indirect.gather [hbm4b:s3+s8], $0x10, s28, s8, $0xb8;
	[tilespmem:$0x11000] =	vst v63  }
0x2a: {  	s28 =	simm.s32 $0x580;
	s29 =	simm.s32 $0x6800  }
0x2b: {  	[tilespmem:s29], [sflag:$0x1] =	stream.indirect.gather [hbm4b:s3+s8], $0x10, s28, s8, $0xb8;
	[tilespmem:$0x11000] =	vst v63  }
0x2c: {  	s28 =	simm.s32 $0x600;
	s29 =	simm.s32 $0x7000  }
0x2d: {  	[tilespmem:s29], [sflag:$0x1] =	stream.indirect.gather [hbm4b:s3+s8], $0x10, s28, s8, $0xb8;
	[tilespmem:$0x11000] =	vst v63  }
0x2e: {  	s28 =	simm.s32 $0x680;
	s29 =	simm.s32 $0x7800  }
0x2f: {  	[tilespmem:s29], [sflag:$0x1] =	stream.indirect.gather [hbm4b:s3+s8], $0x10, s28, s8, $0xb8;
	[tilespmem:$0x11000] =	vst v63  }
0x30: {  	s28 =	simm.s32 $0x700;
	s29 =	simm.s32 $0x8000  }
0x31: {  	[tilespmem:s29], [sflag:$0x1] =	stream.indirect.gather [hbm4b:s3+s8], $0x10, s28, s8, $0xb8;
	[tilespmem:$0x11000] =	vst v63  }
0x32: {  	s28 =	simm.s32 $0x780;
	s29 =	simm.s32 $0x8800  }
0x33: {  	[tilespmem:s29], [sflag:$0x1] =	stream.indirect.gather [hbm4b:s3+s8], $0x10, s28, s8, $0xb8;
	[tilespmem:$0x11000] =	vst v63  }
0x34: {  	s28 =	simm.s32 $0x800;
	s29 =	simm.s32 $0x9000  }
0x35: {  	[tilespmem:s29], [sflag:$0x1] =	stream.indirect.gather [hbm4b:s3+s8], $0x10, s28, s8, $0xb8;
	[tilespmem:$0x11000] =	vst v63  }
0x36: {  	s28 =	simm.s32 $0x880;
	s29 =	simm.s32 $0x9800  }
0x37: {  	[tilespmem:s29], [sflag:$0x1] =	stream.indirect.gather [hbm4b:s3+s8], $0x10, s28, s8, $0xb8;
	[tilespmem:$0x11000] =	vst v63  }
0x38: {  	s28 =	simm.s32 $0x900;
	s29 =	simm.s32 $0xA000  }
0x39: {  	[tilespmem:s29], [sflag:$0x1] =	stream.indirect.gather [hbm4b:s3+s8], $0x10, s28, s8, $0xb8;
	[tilespmem:$0x11000] =	vst v63  }
0x3a: {  	s28 =	simm.s32 $0x980;
	s29 =	simm.s32 $0xA800  }
0x3b: {  	[tilespmem:s29], [sflag:$0x1] =	stream.indirect.gather [hbm4b:s3+s8], $0x10, s28, s8, $0xb8;
	[tilespmem:$0x11000] =	vst v63  }
0x3c: {  	s28 =	simm.s32 $0xA00;
	s29 =	simm.s32 $0xB000  }
0x3d: {  	[tilespmem:s29], [sflag:$0x1] =	stream.indirect.gather [hbm4b:s3+s8], $0x10, s28, s8, $0xb8;
	[tilespmem:$0x11000] =	vst v63  }
0x3e: {  	s28 =	simm.s32 $0xA80;
	s29 =	simm.s32 $0xB800  }
0x3f: {  	[tilespmem:s29], [sflag:$0x1] =	stream.indirect.gather [hbm4b:s3+s8], $0x10, s28, s8, $0xb8;
	[tilespmem:$0x11000] =	vst v63  }
0x40: {  	s28 =	simm.s32 $0xB00;
	s29 =	simm.s32 $0xC000  }
0x41: {  	[tilespmem:s29], [sflag:$0x1] =	stream.indirect.gather [hbm4b:s3+s8], $0x10, s28, s8, $0xb8;
	[tilespmem:$0x11000] =	vst v63  }
0x42: {  	s28 =	simm.s32 $0xB80  }
0x43: {  	[tilespmem:s30], [sflag:$0x1] =	stream.indirect.gather [hbm4b:s3+s8], $0x10, s28, s8, $0xb8;
	[tilespmem:$0x11000] =	vst v63  }
0x44: {  	_ = 	snop  }
0x45: {  	[tilespmem:s0], [sflag:$0x1] =	stream.indirect.gather [hbm4b:s3+s8], $0x10, s31, s8, $0xb8;
	[tilespmem:$0x11000] =	vst v63  }
0x46: {  	_ = 	snop  }
0x47: {  	[tilespmem:s9], [sflag:$0x1] =	stream.indirect.gather [hbm4b:s3+s8], $0x10, s1, s8, $0xb8;
	[tilespmem:$0x11000] =	vst v63  }
0x48: {  	_ = 	snop  }
0x49: {  	[tilespmem:s11], [sflag:$0x1] =	stream.indirect.gather [hbm4b:s3+s8], $0x10, s10, s8, $0xb8;
	[tilespmem:$0x11000] =	vst v63  }
0x4a: {  	_ = 	snop  }
0x4b: {  	[tilespmem:s13], [sflag:$0x1] =	stream.indirect.gather [hbm4b:s3+s8], $0x10, s12, s8, $0xb8;
	[tilespmem:$0x11000] =	vst v63  }
0x4c: {  	_ = 	snop  }
0x4d: {  	[tilespmem:s15], [sflag:$0x1] =	stream.indirect.gather [hbm4b:s3+s8], $0x10, s14, s8, $0xb8;
	[tilespmem:$0x11000] =	vst v63  }
0x4e: {  	_ = 	snop  }
0x4f: {  	[tilespmem:s17], [sflag:$0x1] =	stream.indirect.gather [hbm4b:s3+s8], $0x10, s16, s8, $0xb8;
	[tilespmem:$0x11000] =	vst v63  }
0x50: {  	_ = 	snop  }
0x51: {  	[tilespmem:s19], [sflag:$0x1] =	stream.indirect.gather [hbm4b:s3+s8], $0x10, s18, s8, $0xb8;
	[tilespmem:$0x11000] =	vst v63  }
0x52: {  	_ = 	snop  }
0x53: {  	[tilespmem:s21], [sflag:$0x1] =	stream.indirect.gather [hbm4b:s3+s8], $0x10, s20, s8, $0xb8;
	[tilespmem:$0x11000] =	vst v63  }
0x54: {  	_ =	swait.ge [sflag:s22], $0x800  }
0x55: {  	[sflag:s22] =	ssyncset.done $0x0  }
0x56: {  	s28 =	sadd.s32 $0x0, s6;
	[sflag:s22] =	ssyncadd.s32 $0xFFFFF800  }
0x57: {  	[hbm4b:s28+s23] =	stream.strided.scatter [tilespmem:s26], [sflag:$0x2], $0x800, s8, s23, $0x38;
	[tilespmem:$0x11000] =	vst v63  }
0x58: {  	s28 =	simm.s32 $0x800  }
.LBB2_2:
0x59: {  	_ =	swait.ge [sflag:s22], $0x800;
	p0 =	sne.s32 s28, $0xF800  }
.Ltmp0:
0x5a: {  	(pc) =	sbr.rel @p0 .LBB2_2-.Ltmp0, $4  }
0x5b: {  	_ = 	snop  }
0x5c: {  	s29 =	sadd.s32 s28, s6;
	s26 =	sadd.s32 $0x800, s26;
	[sflag:s22] =	ssyncset.done $0x0  }
0x5d: {  	s28 =	sadd.s32 $0x800, s28;
	[sflag:s22] =	ssyncadd.s32 $0xFFFFF800  }
0x5e: {  	[hbm4b:s29+s23] =	stream.strided.scatter [tilespmem:s26], [sflag:$0x2], $0x800, s8, s23, $0x38;
	[tilespmem:$0x11000] =	vst v63  }
0x5f: {  	_ =	swait.ge [sflag:s24], $0x800  }
0x60: {  	[sflag:s24] =	ssyncset.done $0x0  }
0x61: {  	[sflag:s24] =	ssyncadd.s32 $0xFFFFF800  }
0x62: {  	_ =	swait.ge [sflag:s24], $0x800  }
0x63: {  	[sflag:s24] =	ssyncset.done $0x0  }
0x64: {  	[sflag:s24] =	ssyncadd.s32 $0xFFFFF800  }
0x65: {  	_ =	swait.ge [sflag:s24], $0x800  }
0x66: {  	[sflag:s24] =	ssyncset.done $0x0  }
0x67: {  	[sflag:s24] =	ssyncadd.s32 $0xFFFFF800  }
0x68: {  	_ =	swait.ge [sflag:s24], $0x800  }
0x69: {  	[sflag:s24] =	ssyncset.done $0x0  }
0x6a: {  	[sflag:s24] =	ssyncadd.s32 $0xFFFFF800  }
0x6b: {  	_ =	swait.ge [sflag:s24], $0x800  }
0x6c: {  	[sflag:s24] =	ssyncset.done $0x0  }
0x6d: {  	[sflag:s24] =	ssyncadd.s32 $0xFFFFF800  }
0x6e: {  	_ =	swait.ge [sflag:s24], $0x800  }
0x6f: {  	[sflag:s24] =	ssyncset.done $0x0  }
0x70: {  	[sflag:s24] =	ssyncadd.s32 $0xFFFFF800  }
0x71: {  	_ =	swait.ge [sflag:s24], $0x800  }
0x72: {  	[sflag:s24] =	ssyncset.done $0x0  }
0x73: {  	[sflag:s24] =	ssyncadd.s32 $0xFFFFF800  }
0x74: {  	_ =	swait.ge [sflag:s24], $0x800  }
0x75: {  	[sflag:s24] =	ssyncset.done $0x0  }
0x76: {  	[sflag:s24] =	ssyncadd.s32 $0xFFFFF800  }
0x77: {  	_ =	swait.ge [sflag:s24], $0x800  }
0x78: {  	[sflag:s24] =	ssyncset.done $0x0  }
0x79: {  	[sflag:s24] =	ssyncadd.s32 $0xFFFFF800  }
0x7a: {  	_ =	swait.ge [sflag:s24], $0x800  }
0x7b: {  	[sflag:s24] =	ssyncset.done $0x0  }
0x7c: {  	[sflag:s24] =	ssyncadd.s32 $0xFFFFF800  }
0x7d: {  	_ =	swait.ge [sflag:s24], $0x800  }
0x7e: {  	[sflag:s24] =	ssyncset.done $0x0  }
0x7f: {  	[sflag:s24] =	ssyncadd.s32 $0xFFFFF800  }
0x80: {  	_ =	swait.ge [sflag:s24], $0x800  }
0x81: {  	[sflag:s24] =	ssyncset.done $0x0  }
0x82: {  	[sflag:s24] =	ssyncadd.s32 $0xFFFFF800  }
0x83: {  	_ =	swait.ge [sflag:s24], $0x800  }
0x84: {  	[sflag:s24] =	ssyncset.done $0x0  }
0x85: {  	[sflag:s24] =	ssyncadd.s32 $0xFFFFF800  }
0x86: {  	_ =	swait.ge [sflag:s24], $0x800  }
0x87: {  	[sflag:s24] =	ssyncset.done $0x0  }
0x88: {  	[sflag:s24] =	ssyncadd.s32 $0xFFFFF800  }
0x89: {  	_ =	swait.ge [sflag:s24], $0x800  }
0x8a: {  	[sflag:s24] =	ssyncset.done $0x0  }
0x8b: {  	[sflag:s24] =	ssyncadd.s32 $0xFFFFF800  }
0x8c: {  	_ =	swait.ge [sflag:s24], $0x800  }
0x8d: {  	[sflag:s24] =	ssyncset.done $0x0  }
0x8e: {  	[sflag:s24] =	ssyncadd.s32 $0xFFFFF800  }
0x8f: {  	_ =	swait.ge [sflag:s24], $0x800  }
0x90: {  	[sflag:s24] =	ssyncset.done $0x0  }
0x91: {  	[sflag:s24] =	ssyncadd.s32 $0xFFFFF800  }
0x92: {  	_ =	swait.ge [sflag:s24], $0x800  }
0x93: {  	[sflag:s24] =	ssyncset.done $0x0  }
0x94: {  	[sflag:s24] =	ssyncadd.s32 $0xFFFFF800  }
0x95: {  	_ =	swait.ge [sflag:s24], $0x800  }
0x96: {  	[sflag:s24] =	ssyncset.done $0x0  }
0x97: {  	[sflag:s24] =	ssyncadd.s32 $0xFFFFF800  }
0x98: {  	_ =	swait.ge [sflag:s24], $0x800  }
0x99: {  	[sflag:s24] =	ssyncset.done $0x0  }
0x9a: {  	[sflag:s24] =	ssyncadd.s32 $0xFFFFF800  }
0x9b: {  	_ =	swait.ge [sflag:s24], $0x800  }
0x9c: {  	[sflag:s24] =	ssyncset.done $0x0  }
0x9d: {  	[sflag:s24] =	ssyncadd.s32 $0xFFFFF800  }
0x9e: {  	_ =	swait.ge [sflag:s24], $0x800  }
0x9f: {  	[sflag:s24] =	ssyncset.done $0x0  }
0xa0: {  	[sflag:s24] =	ssyncadd.s32 $0xFFFFF800  }
0xa1: {  	_ =	swait.ge [sflag:s24], $0x800  }
0xa2: {  	[sflag:s24] =	ssyncset.done $0x0  }
0xa3: {  	[sflag:s24] =	ssyncadd.s32 $0xFFFFF800  }
0xa4: {  	_ =	swait.ge [sflag:s24], $0x800  }
0xa5: {  	[sflag:s24] =	ssyncset.done $0x0  }
0xa6: {  	[sflag:s24] =	ssyncadd.s32 $0xFFFFF800  }
0xa7: {  	_ =	swait.ge [sflag:s24], $0x800  }
0xa8: {  	[sflag:s24] =	ssyncset.done $0x0  }
0xa9: {  	[sflag:s24] =	ssyncadd.s32 $0xFFFFF800  }
0xaa: {  	_ =	swait.ge [sflag:s24], $0x800  }
0xab: {  	[sflag:s24] =	ssyncset.done $0x0  }
0xac: {  	[sflag:s24] =	ssyncadd.s32 $0xFFFFF800  }
0xad: {  	_ =	swait.ge [sflag:s24], $0x800  }
0xae: {  	[sflag:s24] =	ssyncset.done $0x0  }
0xaf: {  	[sflag:s24] =	ssyncadd.s32 $0xFFFFF800  }
0xb0: {  	_ =	swait.ge [sflag:s24], $0x800  }
0xb1: {  	[sflag:s24] =	ssyncset.done $0x0  }
0xb2: {  	[sflag:s24] =	ssyncadd.s32 $0xFFFFF800  }
0xb3: {  	_ =	swait.ge [sflag:s24], $0x800  }
0xb4: {  	[sflag:s24] =	ssyncset.done $0x0  }
0xb5: {  	[sflag:s24] =	ssyncadd.s32 $0xFFFFF800  }
0xb6: {  	_ =	swait.ge [sflag:s24], $0x800  }
0xb7: {  	[sflag:s24] =	ssyncset.done $0x0  }
0xb8: {  	s25 =	sadd.s32 $0x1, s25;
	[sflag:s24] =	ssyncadd.s32 $0xFFFFF800  }
0xb9: {  	p0 =	sne.s32 s25, s5;
	_ =	swait.ge [sflag:s24], $0x800  }
.Ltmp1:
0xba: {  	[sflag:s24] =	ssyncset.done $0x0;
	(pc) =	sbr.rel @p0 .LBB2_1-.Ltmp1, $4  }
0xbb: {  	[sflag:s24] =	ssyncadd.s32 $0xFFFFF800  }
0xbc: {  	_ =	swait.ge [sflag:s24], $0x800  }
0xbd: {  	[sflag:s24] =	ssyncset.done $0x0  }
0xbe: {  	[sflag:s24] =	ssyncadd.s32 $0xFFFFF800  }
0xbf: {  	_ =	sfence.sel $0x180000  }
0xc0: {  	[bflag:$0x0] =	sbarrier.arrive $0xFFFF  }
0xc1: {  	_ =	strace $0x90000050  }
0xc2: {  	s0 =	stileid.u32;
	[bflag:$0x2] =	sbarrier.arrive $0xFFFF  }
0xc3: {  	p0 =	sne.s32 s0, $0x0;
	s0 =	rddreg [dreg:$0x1]  }
0xc4: {  	s0 =	sadd.s32 @!p0 $0x100000, s0  }
0xc5: {  	[sflag:s0] =	ssyncadd.tile.s32 @!p0 $0x1;
	_ =	shalt  }
.Lfunc_end2:
_tile_overlayer_lowered:
.L_overlay_start_2:
0xc6: {  	(tag) =	ssettag $0x2  }
0xc7: {  	s0 =	rddreg [dreg:$0x0];
	s2 =	stileid.u32  }
0xc8: {  	s1 =	rddreg [dreg:$0x1];
	p0 =	sne.s32 s2, $0x0  }
0xc9: {  	s3 =	rddreg [dreg:$0x2];
	[bflag:$0x3] =	sbarrier.arrive $0xFFFF;
	s2 =	simm.s32 @!p0 $0x1C03  }
0xca: {  	[timem:s3], [sflag:s2] =	dma.local @!p0 [hbm:s0], s1  }
0xcb: {  	s0 =	simm.s32 @!p0 $0x3  }
0xcc: {  	_ =	swait.ge @!p0 [sflag:s0], s1  }
0xcd: {  	s1 =	ssub.s32 @!p0 $0x0, s1;
	[sflag:s0] =	ssyncset.done @!p0 $0x0  }
0xce: {  	[sflag:s0] =	ssyncadd.s32 @!p0 s1  }
0xcf: {  	[bflag:$0x3] =	sbarrier.arrive $0xFFFF  }
0xd0: {  	_ =	shalt  }

// kernel: kernel.14.cloned.1.call-start
scs
__scs_entry_jumppad:
0x0: {  	(pc) =	sbr.rel $0x88, $3  }
0x1: {  	(tag) =	ssettag $0x0;
	lr =	simm.s32 $0x1  }
0x2: {  	[smem:$0x3F98] =	sst lr;
	_ =	strace $0xD0000000  }
0x3: {  	_ = 	snop  }
0x4: {  	_ = 	snop  }
0x5: {  	_ = 	snop  }
0x6: {  	_ = 	snop  }
0x7: {  	_ = 	snop  }
__scs_overlays_trampoline_lowered:
0x8: {  	[smem:$0x3FA7] =	sst s0  }
0x9: {  	[smem:$0x3FA8] =	sst s1  }
0xa: {  	[smem:$0x3FA9] =	sst s2  }
0xb: {  	[smem:$0x3FAA] =	sst s3  }
0xc: {  	[smem:$0x3FAB] =	sst s4  }
0xd: {  	[smem:$0x3FAC] =	sst s5  }
0xe: {  	[smem:$0x3FAD] =	sst s6  }
0xf: {  	[smem:$0x3FAE] =	sst s7  }
0x10: {  	[smem:$0x3FAF] =	sst s8  }
0x11: {  	[smem:$0x3FB0] =	sst s9;
	s0 =	simm.s32 @!p0 $0x0  }
0x12: {  	s1 =	sld [smem:$0x3F96];
	s0 =	simm.s32 @p0 $0x1  }
0x13: {  	[smem:$0x3FB1] =	sst s0;
	s0 =	simm.s32 @!p1 $0x0  }
0x14: {  	s2 =	sld [smem:$0x3F95];
	s0 =	simm.s32 @p1 $0x1  }
0x15: {  	[smem:$0x3FB2] =	sst s0;
	s0 =	simm.s32 @!p2 $0x0  }
0x16: {  	s3 =	sld [smem:$0x3FDB];
	s0 =	simm.s32 @p2 $0x1  }
0x17: {  	s4 =	simm.s32 $0x1BF5;
	[smem:$0x3FB4] =	sst s0  }
0x18: {  	s0 =	sld [smem:$0x3F97];
	_ =	swait.ge [sflag:s4], $0x0  }
0x19: {  	s7 =	sld [smem:$0x3F98]  }
0x1a: {  	s8 =	sadd.s32 $0xFFFFE003, lr  }
0x1b: {  	s9 =	sadd.s32 $0xFFFFFEF7, lr;
	s5 =	simm.s32 $0xFFFFFFFF;
	p2 =	slt.u32 s8, $0xFFFFF086  }
0x1c: {  	p1 =	slt.u32 s9, $0xF7A;
	s5 =	simm.s32 @!p2 $0x0  }
0x1d: {  	s5 =	simm.s32 @p1 $0x1;
	p0 =	seq.s32 s7, s2  }
0x1e: {  	s7 =	smul.u32 @!p0 $0xF7A, s2;
	p2 =	seq.s32 @!p0 s5, $0x0  }
0x1f: {  	s9 =	smul.u32 $0xF7A, s1;
	s8 =	simm.s32 @!p0 $0x1BF5;
	p2 =	por !p2, p0  }
0x20: {  	[sflag:s8] =	ssyncset.s32 @!p0 $0xFFFFF086;
	s6 =	sadd.s32 @!p0 s3, s7;
	s7 =	simm.s32 @!p0 $0x108  }
0x21: {  	s3 =	sadd.s32 s3, s9;
	s6 =	sadd.s32 @!p0 $0x88, s6;
	s7 =	simm.s32 @p2 $0x1082  }
0x22: {  	[simem:s7], [sflag:s8] =	dma.local @!p0 [hbm:s6], $0xF7A  }
0x23: {  	s9 =	sor.u32 $0xD0000000, s2;
	s6 =	simm.s32 $0x108;
	_ =	swait.ge @!p0 [sflag:s8], $0x0  }
0x24: {  	s3 =	sadd.s32 $0x88, s3;
	s6 =	simm.s32 @!p1 $0x1082;
	[sflag:s4] =	ssyncset.s32 $0xFFFFF086  }
0x25: {  	[simem:s6], [sflag:s4] =	dma.local [hbm:s3], $0xF7A  }
0x26: {  	[smem:$0x3F98] =	sst s1;
	(tag) =	ssettag s2;
	_ =	strace s9  }
0x27: {  	s1 =	sld [smem:$0x3FA8]  }
0x28: {  	s2 =	sld [smem:$0x3FA9]  }
0x29: {  	s4 =	sld [smem:$0x3FAB]  }
0x2a: {  	p0 =	seq.s32 s5, $0x0;
	s5 =	sld [smem:$0x3FAC]  }
0x2b: {  	s6 =	sld [smem:$0x3FAD]  }
0x2c: {  	s7 =	sld [smem:$0x3FAE]  }
0x2d: {  	s3 =	simm.s32 $0x108;
	s8 =	sld [smem:$0x3FAF]  }
0x2e: {  	s3 =	simm.s32 @!p0 $0x1082;
	s9 =	sld [smem:$0x3FB0]  }
0x2f: {  	lr =	sadd.s32 s0, s3;
	s0 =	sld [smem:$0x3FA7]  }
0x30: {  	s3 =	sld [smem:$0x3FAA]  }
0x31: {  	[smem:$0x3FB3] =	sst s10  }
0x32: {  	s10 =	sld [smem:$0x3FB1];
	_ =	sdelay $0x3  }
0x33: {  	p0 =	seq.s32 s10, $0x1;
	s10 =	sld [smem:$0x3FB3];
	_ =	sdelay $0x3  }
0x34: {  	[smem:$0x3FB3] =	sst s10  }
0x35: {  	s10 =	sld [smem:$0x3FB2];
	_ =	sdelay $0x3  }
0x36: {  	p1 =	seq.s32 s10, $0x1;
	s10 =	sld [smem:$0x3FB3];
	_ =	sdelay $0x3  }
0x37: {  	[smem:$0x3FB3] =	sst s10  }
0x38: {  	s10 =	sld [smem:$0x3FB4]  }
0x39: {  	_ = 	snop;
	(pc) =	sbr.ind lr, $3  }
0x3a: {  	_ = 	snop  }
0x3b: {  	_ = 	snop  }
0x3c: {  	p2 =	seq.s32 s10, $0x1;
	s10 =	sld [smem:$0x3FB3]  }
0x3d: {  	_ =	shalt  }
0x3e: {  	_ =	shalt  }
0x3f: {  	_ =	shalt  }
0x40: {  	_ =	shalt  }
0x41: {  	_ =	shalt  }
0x42: {  	_ =	shalt  }
0x43: {  	_ =	shalt  }
0x44: {  	_ =	shalt  }
0x45: {  	_ =	shalt  }
0x46: {  	_ =	shalt  }
0x47: {  	_ =	shalt  }
0x48: {  	_ =	shalt  }
0x49: {  	_ =	shalt  }
0x4a: {  	_ =	shalt  }
0x4b: {  	_ =	shalt  }
0x4c: {  	_ =	shalt  }
0x4d: {  	_ =	shalt  }
0x4e: {  	_ =	shalt  }
0x4f: {  	_ =	shalt  }
0x50: {  	_ =	shalt  }
0x51: {  	_ =	shalt  }
0x52: {  	_ =	shalt  }
0x53: {  	_ =	shalt  }
0x54: {  	_ =	shalt  }
0x55: {  	_ =	shalt  }
0x56: {  	_ =	shalt  }
0x57: {  	_ =	shalt  }
0x58: {  	_ =	shalt  }
0x59: {  	_ =	shalt  }
0x5a: {  	_ =	shalt  }
0x5b: {  	_ =	shalt  }
0x5c: {  	_ =	shalt  }
0x5d: {  	_ =	shalt  }
0x5e: {  	_ =	shalt  }
0x5f: {  	_ =	shalt  }
0x60: {  	_ =	shalt  }
0x61: {  	_ =	shalt  }
0x62: {  	_ =	shalt  }
0x63: {  	_ =	shalt  }
0x64: {  	_ =	shalt  }
0x65: {  	_ =	shalt  }
0x66: {  	_ =	shalt  }
0x67: {  	_ =	shalt  }
0x68: {  	_ =	shalt  }
0x69: {  	_ =	shalt  }
0x6a: {  	_ =	shalt  }
0x6b: {  	_ =	shalt  }
0x6c: {  	_ =	shalt  }
0x6d: {  	_ =	shalt  }
0x6e: {  	_ =	shalt  }
0x6f: {  	_ =	shalt  }
0x70: {  	_ =	shalt  }
0x71: {  	_ =	shalt  }
0x72: {  	_ =	shalt  }
0x73: {  	_ =	shalt  }
0x74: {  	_ =	shalt  }
0x75: {  	_ =	shalt  }
0x76: {  	_ =	shalt  }
0x77: {  	_ =	shalt  }
0x78: {  	_ =	shalt  }
0x79: {  	_ =	shalt  }
0x7a: {  	_ =	shalt  }
0x7b: {  	_ =	shalt  }
0x7c: {  	_ =	shalt  }
0x7d: {  	_ =	shalt  }
0x7e: {  	_ =	shalt  }
0x7f: {  	_ =	shalt  }
0x80: {  	_ =	shalt  }
0x81: {  	_ =	shalt  }
0x82: {  	_ =	shalt  }
0x83: {  	_ =	shalt  }
0x84: {  	_ =	shalt  }
0x85: {  	_ =	shalt  }
0x86: {  	_ =	shalt  }
0x87: {  	_ =	shalt  }
.Lfunc_end0:
.L_simem_size_0:
called_computation.1_lowered:
.L_overlay_start_0:
0x88: {  	s2 =	sld [smem:$0x3FD9]  }
0x89: {  	s3 =	sld [smem:$0x3FFE];
	_ =	sdelay $0x1  }
0x8a: {  	s1 =	srdreg.scid  }
0x8b: {  	s0 =	sand.u32 $0x1, s1  }
0x8c: {  	s16 =	sshll.u32 s0, $0xA;
	s2 =	sadd.s32 s3, s2  }
0x8d: {  	s2 =	sadd.s32 s2, s16  }
0x8e: {  	[smem:$0x3FBF] =	sst s2  }
0x8f: {  	_ = 	snop  }
0x90: {  	(tm) =	ssettm $0x1  }
0x91: {  	s17 =	sld [smem:$0x3FFB];
	_ =	sdelay $0x3  }
0x92: {  	_ =	strace s17  }
0x93: {  	s2 =	sld [smem:$0x3FFC];
	_ =	sdelay $0x3  }
0x94: {  	_ =	strace s2  }
0x95: {  	s2 =	sld [smem:$0x3FFD];
	_ =	sdelay $0x3  }
0x96: {  	_ =	strace s2  }
0x97: {  	_ =	strace $0x8FFFFFFF  }
0x98: {  	s18 =	sld [smem:$0x3FDB];
	_ =	sdelay $0x1  }
0x99: {  	s19 =	simm.s32 $_scs_section_size  }
0x9a: {  	s4 =	simm.s32 $_size__tile_overlayer_lowered;
	s5 =	simm.s32 $_tile_overlayer_lowered  }
0x9b: {  	s22 =	simm.s32 $0x1BFF;
	s21 =	sshll.u32 s5, $0x1;
	s2 =	sadd.s32 s19, s18  }
0x9c: {  	s6 =	simm.s32 $0x0;
	s20 =	sshll.u32 s4, $0x1;
	s4 =	sadd.s32 s21, s2  }
0x9d: {  	[timem:s6], [sflag:s22] =	dma.local [hbm:s4], s20  }
0x9e: {  	_ =	swait.ge [sflag:s22], s20  }
0x9f: {  	s3 =	ssub.s32 $0x0, s20;
	[sflag:s22] =	ssyncset.done $0x0  }
0xa0: {  	[sflag:s22] =	ssyncadd.s32 s3;
	_ =	sdelay $0x1  }
0xa1: {  	s23 =	simm.s32 $0x1B8B  }
0xa2: {  	_ =	swait.ge [sflag:s23], $0x1  }
0xa3: {  	[sflag:s23] =	ssyncset.done $0x0  }
0xa4: {  	s25 =	simm.s32 $0x1B8E;
	s24 =	sld [smem:$0x3FFE];
	[sflag:s23] =	ssyncadd.s32 $0xFFFFFFFF  }
0xa5: {  	s26 =	simm.s32 $execute0_lowered;
	[smem:$0x3FD2] =	sst s25  }
0xa6: {  	s4 =	sshll.u32 s26, $0x1;
	_ =	strace $0x80000046;
	[dreg:$0x1] =	wrdreg $0xFFFFFFFF  }
0xa7: {  	s28 =	simm.s32 $_size_execute0_lowered;
	s2 =	sadd.s32 s2, s4;
	[dreg:$0x0] =	wrdreg $0x0  }
0xa8: {  	s4 =	sshll.u32 s28, $0x1;
	[dreg:$0x2] =	wrdreg s2  }
0xa9: {  	[dreg:$0x3] =	wrdreg s4  }
0xaa: {  	[dreg:$0x4] =	wrdreg $0xC0  }
0xab: {  	_ =	task [dreg:s6], $0x5FFFF  }
0xac: {  	[dreg:$0x1] =	wrdreg $0xFFFFFFFF  }
0xad: {  	[dreg:$0x0] =	wrdreg $0x60  }
0xae: {  	[dreg:$0x2] =	wrdreg s24  }
0xaf: {  	[dreg:$0x3] =	wrdreg $0xA  }
0xb0: {  	_ =	task.clear_ibuf [dreg:s6], $0x4FFFF;
	_ =	strace $0x90000046  }
0xb1: {  	s29 =	simm.s32 $0xA;
	_ =	strace $0x80000048  }
0xb2: {  	_ =	swait.ge [sflag:s29], $0x1  }
0xb3: {  	[sflag:s29] =	ssyncadd.s32 $0xFFFFFFFF  }
0xb4: {  	_ =	strace $0x90000048  }
0xb5: {  	_ =	sfence  }
0xb6: {  	s30 =	sld [smem:$0x0];
	_ =	sdelay $0x2  }
0xb7: {  	s31 =	sshll.u32 s1, $0xD;
	s1 =	sshrl.u32 s1, $0x2  }
0xb8: {  	s3 =	sand.u32 $0x4000, s31;
	s1 =	sadd.s32 s1, s30  }
0xb9: {  	s0 =	sor.u32 s3, s0;
	s1 =	sshll.u32 s1, $0x11  }
0xba: {  	s0 =	sor.u32 s1, s0  }
0xbb: {  	s0 =	sadd.s32 $0x8F2B, s0  }
0xbc: {  	[sflag:s0] =	ssyncadd.remote.s32 $0x1  }
0xbd: {  	_ =	sfence.sel $0xFFFF  }
0xbe: {  	[dreg:$0x0] =	wrdreg $0xFFFFFFFF;
	(pc) =	sbr.abs _section_cstart, $3  }
0xbf: {  	[dreg:$0x1] =	wrdreg $0xFFFFFFFF  }
0xc0: {  	_ =	task.clear_ibuf [dreg:s6], $0x2FFFF;
	_ =	strace $0x9FFFFFFF  }
0xc1: {  	(tm) =	ssettm $0x7FFFFFFF  }
tec
execute0_lowered:
.L_overlay_start_1:
0x0: {  	(tag) =	ssettag $0x1  }
0x1: {  	s0 =	rddreg [dreg:$0x0];
	s1 =	srdreg.scid  }
0x2: {  	s2 =	simm.s32 $0x0;
	s6 =	stileid.u32;
	s7 =	simm.s32 $0x3  }
0x3: {  	s8 =	simm.s32 $0x80;
	s30 =	simm.s32 $0xC800;
	s31 =	simm.s32 $0xC00  }
0x4: {  	s9 =	simm.s32 $0xD800;
	s10 =	simm.s32 $0xD00;
	s11 =	simm.s32 $0xE000  }
0x5: {  	s12 =	simm.s32 $0xD80;
	s13 =	simm.s32 $0xE800;
	s14 =	simm.s32 $0xE00  }
0x6: {  	s15 =	simm.s32 $0xF000;
	s16 =	simm.s32 $0xE80;
	s17 =	simm.s32 $0xF800  }
0x7: {  	s18 =	simm.s32 $0xF00;
	s19 =	simm.s32 $0x10000;
	s20 =	simm.s32 $0xF80  }
0x8: {  	s21 =	simm.s32 $0x10800;
	s22 =	simm.s32 $0x1;
	s23 =	simm.s32 $0x10  }
0x9: {  	s24 =	simm.s32 $0x2;
	s25 =	simm.s32 $0x0;
	s1 =	sand.u32 $0x1, s1  }
0xa: {  	[smem:$0x7FF] =	sst s2;
	s3 =	sshll.u32 s6, $0x6;
	s4 =	sshll.u32 s1, $0x5  }
0xb: {  	s6 =	sand.u32 $0xE, s6;
	_ =	strace $0x80000047;
	s4 =	sor.u32 s4, s3  }
0xc: {  	s1 =	ssub.s32 $0x2, s1;
	s5 =	sshll.u32 s4, $0x4;
	s4 =	sshll.u32 s4, $0xB  }
0xd: {  	s3 =	sadd.s32 $0x1F000, s0;
	s29 =	sshrl.u32 s1, $0x1;
	s4 =	sand.u32 $0x30000, s4  }
0xe: {  	s1 =	ssub.s32 s1, s29;
	s5 =	sadd.s32 s5, s0;
	s0 =	sadd.s32 s4, s0  }
0xf: {  	s4 =	sadd.s32 $0x1B000, s5;
	s5 =	smax.u32 s1, $0x1;
	s0 =	sadd.s32 s6, s0  }
0x10: {  	s1 =	simm.s32 $0xC80;
	s6 =	sadd.s32 $0x1A5C00, s0;
	s0 =	simm.s32 $0xD000  }
.LBB2_1:
0x11: {  	[tilespmem:s2], [sflag:$0x3] =	stream.linear.gather [hbm4b:s4+s2], $0x1000, $0x38;
	[tilespmem:$0x11000] =	vst v63  }
0x12: {  	_ =	swait.ge [sflag:s7], $0x1000  }
0x13: {  	[sflag:s7] =	ssyncset.done $0x0  }
0x14: {  	s26 =	simm.s32 $0x1000;
	[sflag:s7] =	ssyncadd.s32 $0xFFFFF000  }
0x15: {  	[tilespmem:s26], [sflag:$0x1] =	stream.indirect.gather [hbm4b:s3+s8], $0x10, s2, s8, $0xb8;
	[tilespmem:$0x11000] =	vst v63  }
0x16: {  	s28 =	simm.s32 $0x1800  }
0x17: {  	[tilespmem:s28], [sflag:$0x1] =	stream.indirect.gather [hbm4b:s3+s8], $0x10, s8, s8, $0xb8;
	[tilespmem:$0x11000] =	vst v63  }
0x18: {  	s29 =	simm.s32 $0x2000;
	s28 =	simm.s32 $0x100  }
0x19: {  	[tilespmem:s29], [sflag:$0x1] =	stream.indirect.gather [hbm4b:s3+s8], $0x10, s28, s8, $0xb8;
	[tilespmem:$0x11000] =	vst v63  }
0x1a: {  	s28 =	simm.s32 $0x180;
	s29 =	simm.s32 $0x2800  }
0x1b: {  	[tilespmem:s29], [sflag:$0x1] =	stream.indirect.gather [hbm4b:s3+s8], $0x10, s28, s8, $0xb8;
	[tilespmem:$0x11000] =	vst v63  }
0x1c: {  	s28 =	simm.s32 $0x200;
	s29 =	simm.s32 $0x3000  }
0x1d: {  	[tilespmem:s29], [sflag:$0x1] =	stream.indirect.gather [hbm4b:s3+s8], $0x10, s28, s8, $0xb8;
	[tilespmem:$0x11000] =	vst v63  }
0x1e: {  	s28 =	simm.s32 $0x280;
	s29 =	simm.s32 $0x3800  }
0x1f: {  	[tilespmem:s29], [sflag:$0x1] =	stream.indirect.gather [hbm4b:s3+s8], $0x10, s28, s8, $0xb8;
	[tilespmem:$0x11000] =	vst v63  }
0x20: {  	s28 =	simm.s32 $0x300;
	s29 =	simm.s32 $0x4000  }
0x21: {  	[tilespmem:s29], [sflag:$0x1] =	stream.indirect.gather [hbm4b:s3+s8], $0x10, s28, s8, $0xb8;
	[tilespmem:$0x11000] =	vst v63  }
0x22: {  	s28 =	simm.s32 $0x380;
	s29 =	simm.s32 $0x4800  }
0x23: {  	[tilespmem:s29], [sflag:$0x1] =	stream.indirect.gather [hbm4b:s3+s8], $0x10, s28, s8, $0xb8;
	[tilespmem:$0x11000] =	vst v63  }
0x24: {  	s28 =	simm.s32 $0x400;
	s29 =	simm.s32 $0x5000  }
0x25: {  	[tilespmem:s29], [sflag:$0x1] =	stream.indirect.gather [hbm4b:s3+s8], $0x10, s28, s8, $0xb8;
	[tilespmem:$0x11000] =	vst v63  }
0x26: {  	s28 =	simm.s32 $0x480;
	s29 =	simm.s32 $0x5800  }
0x27: {  	[tilespmem:s29], [sflag:$0x1] =	stream.indirect.gather [hbm4b:s3+s8], $0x10, s28, s8, $0xb8;
	[tilespmem:$0x11000] =	vst v63  }
0x28: {  	s28 =	simm.s32 $0x500;
	s29 =	simm.s32 $0x6000  }
0x29: {  	[tilespmem:s29], [sflag:$0x1] =	stream.indirect.gather [hbm4b:s3+s8], $0x10, s28, s8, $0xb8;
	[tilespmem:$0x11000] =	vst v63  }
0x2a: {  	s28 =	simm.s32 $0x580;
	s29 =	simm.s32 $0x6800  }
0x2b: {  	[tilespmem:s29], [sflag:$0x1] =	stream.indirect.gather [hbm4b:s3+s8], $0x10, s28, s8, $0xb8;
	[tilespmem:$0x11000] =	vst v63  }
0x2c: {  	s28 =	simm.s32 $0x600;
	s29 =	simm.s32 $0x7000  }
0x2d: {  	[tilespmem:s29], [sflag:$0x1] =	stream.indirect.gather [hbm4b:s3+s8], $0x10, s28, s8, $0xb8;
	[tilespmem:$0x11000] =	vst v63  }
0x2e: {  	s28 =	simm.s32 $0x680;
	s29 =	simm.s32 $0x7800  }
0x2f: {  	[tilespmem:s29], [sflag:$0x1] =	stream.indirect.gather [hbm4b:s3+s8], $0x10, s28, s8, $0xb8;
	[tilespmem:$0x11000] =	vst v63  }
0x30: {  	s28 =	simm.s32 $0x700;
	s29 =	simm.s32 $0x8000  }
0x31: {  	[tilespmem:s29], [sflag:$0x1] =	stream.indirect.gather [hbm4b:s3+s8], $0x10, s28, s8, $0xb8;
	[tilespmem:$0x11000] =	vst v63  }
0x32: {  	s28 =	simm.s32 $0x780;
	s29 =	simm.s32 $0x8800  }
0x33: {  	[tilespmem:s29], [sflag:$0x1] =	stream.indirect.gather [hbm4b:s3+s8], $0x10, s28, s8, $0xb8;
	[tilespmem:$0x11000] =	vst v63  }
0x34: {  	s28 =	simm.s32 $0x800;
	s29 =	simm.s32 $0x9000  }
0x35: {  	[tilespmem:s29], [sflag:$0x1] =	stream.indirect.gather [hbm4b:s3+s8], $0x10, s28, s8, $0xb8;
	[tilespmem:$0x11000] =	vst v63  }
0x36: {  	s28 =	simm.s32 $0x880;
	s29 =	simm.s32 $0x9800  }
0x37: {  	[tilespmem:s29], [sflag:$0x1] =	stream.indirect.gather [hbm4b:s3+s8], $0x10, s28, s8, $0xb8;
	[tilespmem:$0x11000] =	vst v63  }
0x38: {  	s28 =	simm.s32 $0x900;
	s29 =	simm.s32 $0xA000  }
0x39: {  	[tilespmem:s29], [sflag:$0x1] =	stream.indirect.gather [hbm4b:s3+s8], $0x10, s28, s8, $0xb8;
	[tilespmem:$0x11000] =	vst v63  }
0x3a: {  	s28 =	simm.s32 $0x980;
	s29 =	simm.s32 $0xA800  }
0x3b: {  	[tilespmem:s29], [sflag:$0x1] =	stream.indirect.gather [hbm4b:s3+s8], $0x10, s28, s8, $0xb8;
	[tilespmem:$0x11000] =	vst v63  }
0x3c: {  	s28 =	simm.s32 $0xA00;
	s29 =	simm.s32 $0xB000  }
0x3d: {  	[tilespmem:s29], [sflag:$0x1] =	stream.indirect.gather [hbm4b:s3+s8], $0x10, s28, s8, $0xb8;
	[tilespmem:$0x11000] =	vst v63  }
0x3e: {  	s28 =	simm.s32 $0xA80;
	s29 =	simm.s32 $0xB800  }
0x3f: {  	[tilespmem:s29], [sflag:$0x1] =	stream.indirect.gather [hbm4b:s3+s8], $0x10, s28, s8, $0xb8;
	[tilespmem:$0x11000] =	vst v63  }
0x40: {  	s28 =	simm.s32 $0xB00;
	s29 =	simm.s32 $0xC000  }
0x41: {  	[tilespmem:s29], [sflag:$0x1] =	stream.indirect.gather [hbm4b:s3+s8], $0x10, s28, s8, $0xb8;
	[tilespmem:$0x11000] =	vst v63  }
0x42: {  	s28 =	simm.s32 $0xB80  }
0x43: {  	[tilespmem:s30], [sflag:$0x1] =	stream.indirect.gather [hbm4b:s3+s8], $0x10, s28, s8, $0xb8;
	[tilespmem:$0x11000] =	vst v63  }
0x44: {  	_ = 	snop  }
0x45: {  	[tilespmem:s0], [sflag:$0x1] =	stream.indirect.gather [hbm4b:s3+s8], $0x10, s31, s8, $0xb8;
	[tilespmem:$0x11000] =	vst v63  }
0x46: {  	_ = 	snop  }
0x47: {  	[tilespmem:s9], [sflag:$0x1] =	stream.indirect.gather [hbm4b:s3+s8], $0x10, s1, s8, $0xb8;
	[tilespmem:$0x11000] =	vst v63  }
0x48: {  	_ = 	snop  }
0x49: {  	[tilespmem:s11], [sflag:$0x1] =	stream.indirect.gather [hbm4b:s3+s8], $0x10, s10, s8, $0xb8;
	[tilespmem:$0x11000] =	vst v63  }
0x4a: {  	_ = 	snop  }
0x4b: {  	[tilespmem:s13], [sflag:$0x1] =	stream.indirect.gather [hbm4b:s3+s8], $0x10, s12, s8, $0xb8;
	[tilespmem:$0x11000] =	vst v63  }
0x4c: {  	_ = 	snop  }
0x4d: {  	[tilespmem:s15], [sflag:$0x1] =	stream.indirect.gather [hbm4b:s3+s8], $0x10, s14, s8, $0xb8;
	[tilespmem:$0x11000] =	vst v63  }
0x4e: {  	_ = 	snop  }
0x4f: {  	[tilespmem:s17], [sflag:$0x1] =	stream.indirect.gather [hbm4b:s3+s8], $0x10, s16, s8, $0xb8;
	[tilespmem:$0x11000] =	vst v63  }
0x50: {  	_ = 	snop  }
0x51: {  	[tilespmem:s19], [sflag:$0x1] =	stream.indirect.gather [hbm4b:s3+s8], $0x10, s18, s8, $0xb8;
	[tilespmem:$0x11000] =	vst v63  }
0x52: {  	_ = 	snop  }
0x53: {  	[tilespmem:s21], [sflag:$0x1] =	stream.indirect.gather [hbm4b:s3+s8], $0x10, s20, s8, $0xb8;
	[tilespmem:$0x11000] =	vst v63  }
0x54: {  	_ =	swait.ge [sflag:s22], $0x800  }
0x55: {  	[sflag:s22] =	ssyncset.done $0x0  }
0x56: {  	s28 =	sadd.s32 $0x0, s6;
	[sflag:s22] =	ssyncadd.s32 $0xFFFFF800  }
0x57: {  	[hbm4b:s28+s23] =	stream.strided.scatter [tilespmem:s26], [sflag:$0x2], $0x800, s8, s23, $0x38;
	[tilespmem:$0x11000] =	vst v63  }
0x58: {  	s28 =	simm.s32 $0x800  }
.LBB2_2:
0x59: {  	_ =	swait.ge [sflag:s22], $0x800;
	p0 =	sne.s32 s28, $0xF800  }
.Ltmp0:
0x5a: {  	(pc) =	sbr.rel @p0 .LBB2_2-.Ltmp0, $4  }
0x5b: {  	_ = 	snop  }
0x5c: {  	s29 =	sadd.s32 s28, s6;
	s26 =	sadd.s32 $0x800, s26;
	[sflag:s22] =	ssyncset.done $0x0  }
0x5d: {  	s28 =	sadd.s32 $0x800, s28;
	[sflag:s22] =	ssyncadd.s32 $0xFFFFF800  }
0x5e: {  	[hbm4b:s29+s23] =	stream.strided.scatter [tilespmem:s26], [sflag:$0x2], $0x800, s8, s23, $0x38;
	[tilespmem:$0x11000] =	vst v63  }
0x5f: {  	_ =	swait.ge [sflag:s24], $0x800  }
0x60: {  	[sflag:s24] =	ssyncset.done $0x0  }
0x61: {  	[sflag:s24] =	ssyncadd.s32 $0xFFFFF800  }
0x62: {  	_ =	swait.ge [sflag:s24], $0x800  }
0x63: {  	[sflag:s24] =	ssyncset.done $0x0  }
0x64: {  	[sflag:s24] =	ssyncadd.s32 $0xFFFFF800  }
0x65: {  	_ =	swait.ge [sflag:s24], $0x800  }
0x66: {  	[sflag:s24] =	ssyncset.done $0x0  }
0x67: {  	[sflag:s24] =	ssyncadd.s32 $0xFFFFF800  }
0x68: {  	_ =	swait.ge [sflag:s24], $0x800  }
0x69: {  	[sflag:s24] =	ssyncset.done $0x0  }
0x6a: {  	[sflag:s24] =	ssyncadd.s32 $0xFFFFF800  }
0x6b: {  	_ =	swait.ge [sflag:s24], $0x800  }
0x6c: {  	[sflag:s24] =	ssyncset.done $0x0  }
0x6d: {  	[sflag:s24] =	ssyncadd.s32 $0xFFFFF800  }
0x6e: {  	_ =	swait.ge [sflag:s24], $0x800  }
0x6f: {  	[sflag:s24] =	ssyncset.done $0x0  }
0x70: {  	[sflag:s24] =	ssyncadd.s32 $0xFFFFF800  }
0x71: {  	_ =	swait.ge [sflag:s24], $0x800  }
0x72: {  	[sflag:s24] =	ssyncset.done $0x0  }
0x73: {  	[sflag:s24] =	ssyncadd.s32 $0xFFFFF800  }
0x74: {  	_ =	swait.ge [sflag:s24], $0x800  }
0x75: {  	[sflag:s24] =	ssyncset.done $0x0  }
0x76: {  	[sflag:s24] =	ssyncadd.s32 $0xFFFFF800  }
0x77: {  	_ =	swait.ge [sflag:s24], $0x800  }
0x78: {  	[sflag:s24] =	ssyncset.done $0x0  }
0x79: {  	[sflag:s24] =	ssyncadd.s32 $0xFFFFF800  }
0x7a: {  	_ =	swait.ge [sflag:s24], $0x800  }
0x7b: {  	[sflag:s24] =	ssyncset.done $0x0  }
0x7c: {  	[sflag:s24] =	ssyncadd.s32 $0xFFFFF800  }
0x7d: {  	_ =	swait.ge [sflag:s24], $0x800  }
0x7e: {  	[sflag:s24] =	ssyncset.done $0x0  }
0x7f: {  	[sflag:s24] =	ssyncadd.s32 $0xFFFFF800  }
0x80: {  	_ =	swait.ge [sflag:s24], $0x800  }
0x81: {  	[sflag:s24] =	ssyncset.done $0x0  }
0x82: {  	[sflag:s24] =	ssyncadd.s32 $0xFFFFF800  }
0x83: {  	_ =	swait.ge [sflag:s24], $0x800  }
0x84: {  	[sflag:s24] =	ssyncset.done $0x0  }
0x85: {  	[sflag:s24] =	ssyncadd.s32 $0xFFFFF800  }
0x86: {  	_ =	swait.ge [sflag:s24], $0x800  }
0x87: {  	[sflag:s24] =	ssyncset.done $0x0  }
0x88: {  	[sflag:s24] =	ssyncadd.s32 $0xFFFFF800  }
0x89: {  	_ =	swait.ge [sflag:s24], $0x800  }
0x8a: {  	[sflag:s24] =	ssyncset.done $0x0  }
0x8b: {  	[sflag:s24] =	ssyncadd.s32 $0xFFFFF800  }
0x8c: {  	_ =	swait.ge [sflag:s24], $0x800  }
0x8d: {  	[sflag:s24] =	ssyncset.done $0x0  }
0x8e: {  	[sflag:s24] =	ssyncadd.s32 $0xFFFFF800  }
0x8f: {  	_ =	swait.ge [sflag:s24], $0x800  }
0x90: {  	[sflag:s24] =	ssyncset.done $0x0  }
0x91: {  	[sflag:s24] =	ssyncadd.s32 $0xFFFFF800  }
0x92: {  	_ =	swait.ge [sflag:s24], $0x800  }
0x93: {  	[sflag:s24] =	ssyncset.done $0x0  }
0x94: {  	[sflag:s24] =	ssyncadd.s32 $0xFFFFF800  }
0x95: {  	_ =	swait.ge [sflag:s24], $0x800  }
0x96: {  	[sflag:s24] =	ssyncset.done $0x0  }
0x97: {  	[sflag:s24] =	ssyncadd.s32 $0xFFFFF800  }
0x98: {  	_ =	swait.ge [sflag:s24], $0x800  }
0x99: {  	[sflag:s24] =	ssyncset.done $0x0  }
0x9a: {  	[sflag:s24] =	ssyncadd.s32 $0xFFFFF800  }
0x9b: {  	_ =	swait.ge [sflag:s24], $0x800  }
0x9c: {  	[sflag:s24] =	ssyncset.done $0x0  }
0x9d: {  	[sflag:s24] =	ssyncadd.s32 $0xFFFFF800  }
0x9e: {  	_ =	swait.ge [sflag:s24], $0x800  }
0x9f: {  	[sflag:s24] =	ssyncset.done $0x0  }
0xa0: {  	[sflag:s24] =	ssyncadd.s32 $0xFFFFF800  }
0xa1: {  	_ =	swait.ge [sflag:s24], $0x800  }
0xa2: {  	[sflag:s24] =	ssyncset.done $0x0  }
0xa3: {  	[sflag:s24] =	ssyncadd.s32 $0xFFFFF800  }
0xa4: {  	_ =	swait.ge [sflag:s24], $0x800  }
0xa5: {  	[sflag:s24] =	ssyncset.done $0x0  }
0xa6: {  	[sflag:s24] =	ssyncadd.s32 $0xFFFFF800  }
0xa7: {  	_ =	swait.ge [sflag:s24], $0x800  }
0xa8: {  	[sflag:s24] =	ssyncset.done $0x0  }
0xa9: {  	[sflag:s24] =	ssyncadd.s32 $0xFFFFF800  }
0xaa: {  	_ =	swait.ge [sflag:s24], $0x800  }
0xab: {  	[sflag:s24] =	ssyncset.done $0x0  }
0xac: {  	[sflag:s24] =	ssyncadd.s32 $0xFFFFF800  }
0xad: {  	_ =	swait.ge [sflag:s24], $0x800  }
0xae: {  	[sflag:s24] =	ssyncset.done $0x0  }
0xaf: {  	[sflag:s24] =	ssyncadd.s32 $0xFFFFF800  }
0xb0: {  	_ =	swait.ge [sflag:s24], $0x800  }
0xb1: {  	[sflag:s24] =	ssyncset.done $0x0  }
0xb2: {  	[sflag:s24] =	ssyncadd.s32 $0xFFFFF800  }
0xb3: {  	_ =	swait.ge [sflag:s24], $0x800  }
0xb4: {  	[sflag:s24] =	ssyncset.done $0x0  }
0xb5: {  	[sflag:s24] =	ssyncadd.s32 $0xFFFFF800  }
0xb6: {  	_ =	swait.ge [sflag:s24], $0x800  }
0xb7: {  	[sflag:s24] =	ssyncset.done $0x0  }
0xb8: {  	s25 =	sadd.s32 $0x1, s25;
	[sflag:s24] =	ssyncadd.s32 $0xFFFFF800  }
0xb9: {  	p0 =	sne.s32 s25, s5;
	_ =	swait.ge [sflag:s24], $0x800  }
.Ltmp1:
0xba: {  	[sflag:s24] =	ssyncset.done $0x0;
	(pc) =	sbr.rel @p0 .LBB2_1-.Ltmp1, $4  }
0xbb: {  	[sflag:s24] =	ssyncadd.s32 $0xFFFFF800  }
0xbc: {  	_ =	swait.ge [sflag:s24], $0x800  }
0xbd: {  	[sflag:s24] =	ssyncset.done $0x0  }
0xbe: {  	[sflag:s24] =	ssyncadd.s32 $0xFFFFF800  }
0xbf: {  	_ =	sfence.sel $0x180000  }
0xc0: {  	[bflag:$0x0] =	sbarrier.arrive $0xFFFF  }
0xc1: {  	_ =	strace $0x90000047  }
0xc2: {  	s0 =	stileid.u32;
	[bflag:$0x2] =	sbarrier.arrive $0xFFFF  }
0xc3: {  	p0 =	sne.s32 s0, $0x0;
	s0 =	rddreg [dreg:$0x1]  }
0xc4: {  	s0 =	sadd.s32 @!p0 $0x100000, s0  }
0xc5: {  	[sflag:s0] =	ssyncadd.tile.s32 @!p0 $0x1;
	_ =	shalt  }
.Lfunc_end2:
_tile_overlayer_lowered:
.L_overlay_start_2:
0xc6: {  	(tag) =	ssettag $0x2  }
0xc7: {  	s0 =	rddreg [dreg:$0x0];
	s2 =	stileid.u32  }
0xc8: {  	s1 =	rddreg [dreg:$0x1];
	p0 =	sne.s32 s2, $0x0  }
0xc9: {  	s3 =	rddreg [dreg:$0x2];
	[bflag:$0x3] =	sbarrier.arrive $0xFFFF;
	s2 =	simm.s32 @!p0 $0x1C03  }
0xca: {  	[timem:s3], [sflag:s2] =	dma.local @!p0 [hbm:s0], s1  }
0xcb: {  	s0 =	simm.s32 @!p0 $0x3  }
0xcc: {  	_ =	swait.ge @!p0 [sflag:s0], s1  }
0xcd: {  	s1 =	ssub.s32 @!p0 $0x0, s1;
	[sflag:s0] =	ssyncset.done @!p0 $0x0  }
0xce: {  	[sflag:s0] =	ssyncadd.s32 @!p0 s1  }
0xcf: {  	[bflag:$0x3] =	sbarrier.arrive $0xFFFF  }
0xd0: {  	_ =	shalt  }

// kernel: kernel.17.cloned.1.call-start
scs
__scs_entry_jumppad:
0x0: {  	(pc) =	sbr.rel $0x88, $3  }
0x1: {  	(tag) =	ssettag $0x0;
	lr =	simm.s32 $0x1  }
0x2: {  	[smem:$0x3F98] =	sst lr;
	_ =	strace $0xD0000000  }
0x3: {  	_ = 	snop  }
0x4: {  	_ = 	snop  }
0x5: {  	_ = 	snop  }
0x6: {  	_ = 	snop  }
0x7: {  	_ = 	snop  }
__scs_overlays_trampoline_lowered:
0x8: {  	[smem:$0x3FA7] =	sst s0  }
0x9: {  	[smem:$0x3FA8] =	sst s1  }
0xa: {  	[smem:$0x3FA9] =	sst s2  }
0xb: {  	[smem:$0x3FAA] =	sst s3  }
0xc: {  	[smem:$0x3FAB] =	sst s4  }
0xd: {  	[smem:$0x3FAC] =	sst s5  }
0xe: {  	[smem:$0x3FAD] =	sst s6  }
0xf: {  	[smem:$0x3FAE] =	sst s7  }
0x10: {  	[smem:$0x3FAF] =	sst s8  }
0x11: {  	[smem:$0x3FB0] =	sst s9;
	s0 =	simm.s32 @!p0 $0x0  }
0x12: {  	s1 =	sld [smem:$0x3F96];
	s0 =	simm.s32 @p0 $0x1  }
0x13: {  	[smem:$0x3FB1] =	sst s0;
	s0 =	simm.s32 @!p1 $0x0  }
0x14: {  	s2 =	sld [smem:$0x3F95];
	s0 =	simm.s32 @p1 $0x1  }
0x15: {  	[smem:$0x3FB2] =	sst s0;
	s0 =	simm.s32 @!p2 $0x0  }
0x16: {  	s3 =	sld [smem:$0x3FDB];
	s0 =	simm.s32 @p2 $0x1  }
0x17: {  	s4 =	simm.s32 $0x1BF5;
	[smem:$0x3FB4] =	sst s0  }
0x18: {  	s0 =	sld [smem:$0x3F97];
	_ =	swait.ge [sflag:s4], $0x0  }
0x19: {  	s7 =	sld [smem:$0x3F98]  }
0x1a: {  	s8 =	sadd.s32 $0xFFFFE003, lr  }
0x1b: {  	s9 =	sadd.s32 $0xFFFFFEF7, lr;
	s5 =	simm.s32 $0xFFFFFFFF;
	p2 =	slt.u32 s8, $0xFFFFF086  }
0x1c: {  	p1 =	slt.u32 s9, $0xF7A;
	s5 =	simm.s32 @!p2 $0x0  }
0x1d: {  	s5 =	simm.s32 @p1 $0x1;
	p0 =	seq.s32 s7, s2  }
0x1e: {  	s7 =	smul.u32 @!p0 $0xF7A, s2;
	p2 =	seq.s32 @!p0 s5, $0x0  }
0x1f: {  	s9 =	smul.u32 $0xF7A, s1;
	s8 =	simm.s32 @!p0 $0x1BF5;
	p2 =	por !p2, p0  }
0x20: {  	[sflag:s8] =	ssyncset.s32 @!p0 $0xFFFFF086;
	s6 =	sadd.s32 @!p0 s3, s7;
	s7 =	simm.s32 @!p0 $0x108  }
0x21: {  	s3 =	sadd.s32 s3, s9;
	s6 =	sadd.s32 @!p0 $0x88, s6;
	s7 =	simm.s32 @p2 $0x1082  }
0x22: {  	[simem:s7], [sflag:s8] =	dma.local @!p0 [hbm:s6], $0xF7A  }
0x23: {  	s9 =	sor.u32 $0xD0000000, s2;
	s6 =	simm.s32 $0x108;
	_ =	swait.ge @!p0 [sflag:s8], $0x0  }
0x24: {  	s3 =	sadd.s32 $0x88, s3;
	s6 =	simm.s32 @!p1 $0x1082;
	[sflag:s4] =	ssyncset.s32 $0xFFFFF086  }
0x25: {  	[simem:s6], [sflag:s4] =	dma.local [hbm:s3], $0xF7A  }
0x26: {  	[smem:$0x3F98] =	sst s1;
	(tag) =	ssettag s2;
	_ =	strace s9  }
0x27: {  	s1 =	sld [smem:$0x3FA8]  }
0x28: {  	s2 =	sld [smem:$0x3FA9]  }
0x29: {  	s4 =	sld [smem:$0x3FAB]  }
0x2a: {  	p0 =	seq.s32 s5, $0x0;
	s5 =	sld [smem:$0x3FAC]  }
0x2b: {  	s6 =	sld [smem:$0x3FAD]  }
0x2c: {  	s7 =	sld [smem:$0x3FAE]  }
0x2d: {  	s3 =	simm.s32 $0x108;
	s8 =	sld [smem:$0x3FAF]  }
0x2e: {  	s3 =	simm.s32 @!p0 $0x1082;
	s9 =	sld [smem:$0x3FB0]  }
0x2f: {  	lr =	sadd.s32 s0, s3;
	s0 =	sld [smem:$0x3FA7]  }
0x30: {  	s3 =	sld [smem:$0x3FAA]  }
0x31: {  	[smem:$0x3FB3] =	sst s10  }
0x32: {  	s10 =	sld [smem:$0x3FB1];
	_ =	sdelay $0x3  }
0x33: {  	p0 =	seq.s32 s10, $0x1;
	s10 =	sld [smem:$0x3FB3];
	_ =	sdelay $0x3  }
0x34: {  	[smem:$0x3FB3] =	sst s10  }
0x35: {  	s10 =	sld [smem:$0x3FB2];
	_ =	sdelay $0x3  }
0x36: {  	p1 =	seq.s32 s10, $0x1;
	s10 =	sld [smem:$0x3FB3];
	_ =	sdelay $0x3  }
0x37: {  	[smem:$0x3FB3] =	sst s10  }
0x38: {  	s10 =	sld [smem:$0x3FB4]  }
0x39: {  	_ = 	snop;
	(pc) =	sbr.ind lr, $3  }
0x3a: {  	_ = 	snop  }
0x3b: {  	_ = 	snop  }
0x3c: {  	p2 =	seq.s32 s10, $0x1;
	s10 =	sld [smem:$0x3FB3]  }
0x3d: {  	_ =	shalt  }
0x3e: {  	_ =	shalt  }
0x3f: {  	_ =	shalt  }
0x40: {  	_ =	shalt  }
0x41: {  	_ =	shalt  }
0x42: {  	_ =	shalt  }
0x43: {  	_ =	shalt  }
0x44: {  	_ =	shalt  }
0x45: {  	_ =	shalt  }
0x46: {  	_ =	shalt  }
0x47: {  	_ =	shalt  }
0x48: {  	_ =	shalt  }
0x49: {  	_ =	shalt  }
0x4a: {  	_ =	shalt  }
0x4b: {  	_ =	shalt  }
0x4c: {  	_ =	shalt  }
0x4d: {  	_ =	shalt  }
0x4e: {  	_ =	shalt  }
0x4f: {  	_ =	shalt  }
0x50: {  	_ =	shalt  }
0x51: {  	_ =	shalt  }
0x52: {  	_ =	shalt  }
0x53: {  	_ =	shalt  }
0x54: {  	_ =	shalt  }
0x55: {  	_ =	shalt  }
0x56: {  	_ =	shalt  }
0x57: {  	_ =	shalt  }
0x58: {  	_ =	shalt  }
0x59: {  	_ =	shalt  }
0x5a: {  	_ =	shalt  }
0x5b: {  	_ =	shalt  }
0x5c: {  	_ =	shalt  }
0x5d: {  	_ =	shalt  }
0x5e: {  	_ =	shalt  }
0x5f: {  	_ =	shalt  }
0x60: {  	_ =	shalt  }
0x61: {  	_ =	shalt  }
0x62: {  	_ =	shalt  }
0x63: {  	_ =	shalt  }
0x64: {  	_ =	shalt  }
0x65: {  	_ =	shalt  }
0x66: {  	_ =	shalt  }
0x67: {  	_ =	shalt  }
0x68: {  	_ =	shalt  }
0x69: {  	_ =	shalt  }
0x6a: {  	_ =	shalt  }
0x6b: {  	_ =	shalt  }
0x6c: {  	_ =	shalt  }
0x6d: {  	_ =	shalt  }
0x6e: {  	_ =	shalt  }
0x6f: {  	_ =	shalt  }
0x70: {  	_ =	shalt  }
0x71: {  	_ =	shalt  }
0x72: {  	_ =	shalt  }
0x73: {  	_ =	shalt  }
0x74: {  	_ =	shalt  }
0x75: {  	_ =	shalt  }
0x76: {  	_ =	shalt  }
0x77: {  	_ =	shalt  }
0x78: {  	_ =	shalt  }
0x79: {  	_ =	shalt  }
0x7a: {  	_ =	shalt  }
0x7b: {  	_ =	shalt  }
0x7c: {  	_ =	shalt  }
0x7d: {  	_ =	shalt  }
0x7e: {  	_ =	shalt  }
0x7f: {  	_ =	shalt  }
0x80: {  	_ =	shalt  }
0x81: {  	_ =	shalt  }
0x82: {  	_ =	shalt  }
0x83: {  	_ =	shalt  }
0x84: {  	_ =	shalt  }
0x85: {  	_ =	shalt  }
0x86: {  	_ =	shalt  }
0x87: {  	_ =	shalt  }
.Lfunc_end0:
.L_simem_size_0:
called_computation.2_lowered:
.L_overlay_start_0:
0x88: {  	s2 =	sld [smem:$0x3FD9]  }
0x89: {  	s3 =	sld [smem:$0x3FFE];
	_ =	sdelay $0x1  }
0x8a: {  	s1 =	srdreg.scid  }
0x8b: {  	s0 =	sand.u32 $0x1, s1  }
0x8c: {  	s17 =	sshll.u32 s0, $0xA;
	s2 =	sadd.s32 s3, s2  }
0x8d: {  	s2 =	sadd.s32 s2, s17  }
0x8e: {  	[smem:$0x3FBF] =	sst s2  }
0x8f: {  	_ = 	snop  }
0x90: {  	(tm) =	ssettm $0x1  }
0x91: {  	s18 =	sld [smem:$0x3FFB];
	_ =	sdelay $0x3  }
0x92: {  	_ =	strace s18  }
0x93: {  	s2 =	sld [smem:$0x3FFC];
	_ =	sdelay $0x3  }
0x94: {  	_ =	strace s2  }
0x95: {  	s2 =	sld [smem:$0x3FFD];
	_ =	sdelay $0x3  }
0x96: {  	_ =	strace s2  }
0x97: {  	_ =	strace $0x8FFFFFFF  }
0x98: {  	s19 =	sld [smem:$0x3FDB];
	_ =	sdelay $0x1  }
0x99: {  	s20 =	simm.s32 $_scs_section_size  }
0x9a: {  	s4 =	simm.s32 $_size__tile_overlayer_lowered;
	s5 =	simm.s32 $_tile_overlayer_lowered  }
0x9b: {  	s6 =	simm.s32 $0x1BFF;
	s21 =	sshll.u32 s5, $0x1;
	s3 =	sadd.s32 s20, s19  }
0x9c: {  	s22 =	simm.s32 $0x0;
	s4 =	sshll.u32 s4, $0x1;
	s5 =	sadd.s32 s21, s3  }
0x9d: {  	[timem:s22], [sflag:s6] =	dma.local [hbm:s5], s4  }
0x9e: {  	_ =	swait.ge [sflag:s6], s4  }
0x9f: {  	s4 =	ssub.s32 $0x0, s4;
	[sflag:s6] =	ssyncset.done $0x0  }
0xa0: {  	[sflag:s6] =	ssyncadd.s32 s4;
	_ =	sdelay $0x1  }
0xa1: {  	s23 =	simm.s32 $0x1B8B  }
0xa2: {  	_ =	swait.ge [sflag:s23], $0x1  }
0xa3: {  	[sflag:s23] =	ssyncset.done $0x0  }
0xa4: {  	[sflag:s23] =	ssyncadd.s32 $0xFFFFFFFF  }
0xa5: {  	s4 =	sld [smem:$0x0]  }
0xa6: {  	s5 =	sand.u32 $0xFFFFFFFE, s1  }
0xa7: {  	p0 =	sne.s32 s1, s5  }
0xa8: {  	s5 =	sshll.u32 @p0 s5, $0xE  }
0xa9: {  	s5 =	sadd.s32 @p0 $0x11B8D, s5;
	s6 =	sshll.u32 @p0 s4, $0x11  }
0xaa: {  	s5 =	sor.u32 @p0 s6, s5  }
0xab: {  	[sflag:s5] =	ssyncadd.remote.s32 @p0 $0x1;
	_ =	sdelay $0x1  }
0xac: {  	s5 =	simm.s32 @p0 $0x1B8D  }
0xad: {  	_ =	swait.eq @p0 [sflag:s5], $0x1  }
0xae: {  	[sflag:s5] =	ssyncadd.s32 @p0 $0xFFFFFFFF  }
0xaf: {  	s6 =	sshll.u32 @!p0 s1, $0xE  }
0xb0: {  	s6 =	sor.u32 @!p0 $0x4000, s6;
	s5 =	simm.s32 @!p0 $0x1B8D  }
0xb1: {  	s4 =	sshll.u32 @!p0 s4, $0x11;
	s6 =	sadd.s32 @!p0 $0x11B8D, s6;
	_ =	swait.eq @!p0 [sflag:s5], $0x1  }
0xb2: {  	s4 =	sor.u32 @!p0 s4, s6;
	[sflag:s5] =	ssyncadd.s32 @!p0 $0xFFFFFFFF  }
0xb3: {  	s25 =	simm.s32 $0x1B8E;
	s24 =	sld [smem:$0x3FFE];
	[sflag:s4] =	ssyncadd.remote.s32 @!p0 $0x1  }
0xb4: {  	s26 =	simm.s32 $execute0_lowered;
	[smem:$0x3FD2] =	sst s25  }
0xb5: {  	s5 =	sshll.u32 s26, $0x1;
	_ =	strace $0x80000049;
	[dreg:$0x1] =	wrdreg $0xFFFFFFFF  }
0xb6: {  	s28 =	simm.s32 $_size_execute0_lowered;
	s3 =	sadd.s32 s3, s5;
	[dreg:$0x0] =	wrdreg $0x0  }
0xb7: {  	s5 =	sshll.u32 s28, $0x1;
	[dreg:$0x2] =	wrdreg s3  }
0xb8: {  	[dreg:$0x3] =	wrdreg s5  }
0xb9: {  	[dreg:$0x4] =	wrdreg $0xC0  }
0xba: {  	_ =	task [dreg:s22], $0x5FFFF  }
0xbb: {  	[dreg:$0x1] =	wrdreg $0xFFFFFFFF  }
0xbc: {  	[dreg:$0x0] =	wrdreg $0x60  }
0xbd: {  	[dreg:$0x2] =	wrdreg s24  }
0xbe: {  	[dreg:$0x3] =	wrdreg $0xB  }
0xbf: {  	_ =	task.clear_ibuf [dreg:s22], $0x4FFFF;
	_ =	strace $0x90000049  }
0xc0: {  	s29 =	simm.s32 $0xB;
	_ =	strace $0x8000004B  }
0xc1: {  	_ =	swait.ge [sflag:s29], $0x1  }
0xc2: {  	[sflag:s29] =	ssyncadd.s32 $0xFFFFFFFF  }
0xc3: {  	_ =	strace $0x9000004B  }
0xc4: {  	_ =	sfence  }
0xc5: {  	s30 =	sld [smem:$0x0];
	_ =	sdelay $0x2  }
0xc6: {  	s31 =	sshll.u32 s1, $0xD;
	s1 =	sshrl.u32 s1, $0x2  }
0xc7: {  	s4 =	sand.u32 $0x4000, s31;
	s1 =	sadd.s32 s1, s30  }
0xc8: {  	s0 =	sor.u32 s4, s0;
	s1 =	sshll.u32 s1, $0x11  }
0xc9: {  	s0 =	sor.u32 s1, s0  }
0xca: {  	s0 =	sadd.s32 $0x8F2B, s0  }
0xcb: {  	[sflag:s0] =	ssyncadd.remote.s32 $0x1  }
0xcc: {  	_ =	sfence.sel $0xFFFF  }
0xcd: {  	[dreg:$0x0] =	wrdreg $0xFFFFFFFF;
	(pc) =	sbr.abs _section_cstart, $3  }
0xce: {  	[dreg:$0x1] =	wrdreg $0xFFFFFFFF  }
0xcf: {  	_ =	task.clear_ibuf [dreg:s22], $0x2FFFF;
	_ =	strace $0x9FFFFFFF  }
0xd0: {  	(tm) =	ssettm $0x7FFFFFFF  }
0xd1: {  	_ =	shalt  }
tec
execute0_lowered:
.L_overlay_start_1:
0x0: {  	(tag) =	ssettag $0x1  }
0x1: {  	s0 =	rddreg [dreg:$0x0];
	s1 =	srdreg.scid  }
0x2: {  	s2 =	simm.s32 $0x0;
	s6 =	stileid.u32;
	s7 =	simm.s32 $0x3  }
0x3: {  	s8 =	simm.s32 $0x80;
	s30 =	simm.s32 $0xC800;
	s31 =	simm.s32 $0xC00  }
0x4: {  	s9 =	simm.s32 $0xD800;
	s10 =	simm.s32 $0xD00;
	s11 =	simm.s32 $0xE000  }
0x5: {  	s12 =	simm.s32 $0xD80;
	s13 =	simm.s32 $0xE800;
	s14 =	simm.s32 $0xE00  }
0x6: {  	s15 =	simm.s32 $0xF000;
	s16 =	simm.s32 $0xE80;
	s17 =	simm.s32 $0xF800  }
0x7: {  	s18 =	simm.s32 $0xF00;
	s19 =	simm.s32 $0x10000;
	s20 =	simm.s32 $0xF80  }
0x8: {  	s21 =	simm.s32 $0x10800;
	s22 =	simm.s32 $0x1;
	s23 =	simm.s32 $0x10  }
0x9: {  	s24 =	simm.s32 $0x2;
	s25 =	simm.s32 $0x0;
	s1 =	sand.u32 $0x1, s1  }
0xa: {  	[smem:$0x7FF] =	sst s2;
	s3 =	sshll.u32 s6, $0x6;
	s4 =	sshll.u32 s1, $0x5  }
0xb: {  	s6 =	sand.u32 $0xE, s6;
	_ =	strace $0x8000004A;
	s4 =	sor.u32 s4, s3  }
0xc: {  	s1 =	ssub.s32 $0x2, s1;
	s5 =	sshll.u32 s4, $0x4;
	s4 =	sshll.u32 s4, $0xB  }
0xd: {  	s3 =	sadd.s32 $0x1E5C00, s0;
	s29 =	sshrl.u32 s1, $0x1;
	s4 =	sand.u32 $0x30000, s4  }
0xe: {  	s1 =	ssub.s32 s1, s29;
	s5 =	sadd.s32 s5, s0;
	s0 =	sadd.s32 s4, s0  }
0xf: {  	s4 =	sadd.s32 $0x13000, s5;
	s5 =	smax.u32 s1, $0x1;
	s0 =	sadd.s32 s6, s0  }
0x10: {  	s1 =	simm.s32 $0xC80;
	s6 =	sadd.s32 $0x36C800, s0;
	s0 =	simm.s32 $0xD000  }
.LBB2_1:
0x11: {  	[tilespmem:s2], [sflag:$0x3] =	stream.linear.gather [hbm4b:s4+s2], $0x1000, $0x38;
	[tilespmem:$0x11000] =	vst v63  }
0x12: {  	_ =	swait.ge [sflag:s7], $0x1000  }
0x13: {  	[sflag:s7] =	ssyncset.done $0x0  }
0x14: {  	s26 =	simm.s32 $0x1000;
	[sflag:s7] =	ssyncadd.s32 $0xFFFFF000  }
0x15: {  	[tilespmem:s26], [sflag:$0x1] =	stream.indirect.gather [hbm4b:s3+s8], $0x10, s2, s8, $0xb8;
	[tilespmem:$0x11000] =	vst v63  }
0x16: {  	s28 =	simm.s32 $0x1800  }
0x17: {  	[tilespmem:s28], [sflag:$0x1] =	stream.indirect.gather [hbm4b:s3+s8], $0x10, s8, s8, $0xb8;
	[tilespmem:$0x11000] =	vst v63  }
0x18: {  	s29 =	simm.s32 $0x2000;
	s28 =	simm.s32 $0x100  }
0x19: {  	[tilespmem:s29], [sflag:$0x1] =	stream.indirect.gather [hbm4b:s3+s8], $0x10, s28, s8, $0xb8;
	[tilespmem:$0x11000] =	vst v63  }
0x1a: {  	s28 =	simm.s32 $0x180;
	s29 =	simm.s32 $0x2800  }
0x1b: {  	[tilespmem:s29], [sflag:$0x1] =	stream.indirect.gather [hbm4b:s3+s8], $0x10, s28, s8, $0xb8;
	[tilespmem:$0x11000] =	vst v63  }
0x1c: {  	s28 =	simm.s32 $0x200;
	s29 =	simm.s32 $0x3000  }
0x1d: {  	[tilespmem:s29], [sflag:$0x1] =	stream.indirect.gather [hbm4b:s3+s8], $0x10, s28, s8, $0xb8;
	[tilespmem:$0x11000] =	vst v63  }
0x1e: {  	s28 =	simm.s32 $0x280;
	s29 =	simm.s32 $0x3800  }
0x1f: {  	[tilespmem:s29], [sflag:$0x1] =	stream.indirect.gather [hbm4b:s3+s8], $0x10, s28, s8, $0xb8;
	[tilespmem:$0x11000] =	vst v63  }
0x20: {  	s28 =	simm.s32 $0x300;
	s29 =	simm.s32 $0x4000  }
0x21: {  	[tilespmem:s29], [sflag:$0x1] =	stream.indirect.gather [hbm4b:s3+s8], $0x10, s28, s8, $0xb8;
	[tilespmem:$0x11000] =	vst v63  }
0x22: {  	s28 =	simm.s32 $0x380;
	s29 =	simm.s32 $0x4800  }
0x23: {  	[tilespmem:s29], [sflag:$0x1] =	stream.indirect.gather [hbm4b:s3+s8], $0x10, s28, s8, $0xb8;
	[tilespmem:$0x11000] =	vst v63  }
0x24: {  	s28 =	simm.s32 $0x400;
	s29 =	simm.s32 $0x5000  }
0x25: {  	[tilespmem:s29], [sflag:$0x1] =	stream.indirect.gather [hbm4b:s3+s8], $0x10, s28, s8, $0xb8;
	[tilespmem:$0x11000] =	vst v63  }
0x26: {  	s28 =	simm.s32 $0x480;
	s29 =	simm.s32 $0x5800  }
0x27: {  	[tilespmem:s29], [sflag:$0x1] =	stream.indirect.gather [hbm4b:s3+s8], $0x10, s28, s8, $0xb8;
	[tilespmem:$0x11000] =	vst v63  }
0x28: {  	s28 =	simm.s32 $0x500;
	s29 =	simm.s32 $0x6000  }
0x29: {  	[tilespmem:s29], [sflag:$0x1] =	stream.indirect.gather [hbm4b:s3+s8], $0x10, s28, s8, $0xb8;
	[tilespmem:$0x11000] =	vst v63  }
0x2a: {  	s28 =	simm.s32 $0x580;
	s29 =	simm.s32 $0x6800  }
0x2b: {  	[tilespmem:s29], [sflag:$0x1] =	stream.indirect.gather [hbm4b:s3+s8], $0x10, s28, s8, $0xb8;
	[tilespmem:$0x11000] =	vst v63  }
0x2c: {  	s28 =	simm.s32 $0x600;
	s29 =	simm.s32 $0x7000  }
0x2d: {  	[tilespmem:s29], [sflag:$0x1] =	stream.indirect.gather [hbm4b:s3+s8], $0x10, s28, s8, $0xb8;
	[tilespmem:$0x11000] =	vst v63  }
0x2e: {  	s28 =	simm.s32 $0x680;
	s29 =	simm.s32 $0x7800  }
0x2f: {  	[tilespmem:s29], [sflag:$0x1] =	stream.indirect.gather [hbm4b:s3+s8], $0x10, s28, s8, $0xb8;
	[tilespmem:$0x11000] =	vst v63  }
0x30: {  	s28 =	simm.s32 $0x700;
	s29 =	simm.s32 $0x8000  }
0x31: {  	[tilespmem:s29], [sflag:$0x1] =	stream.indirect.gather [hbm4b:s3+s8], $0x10, s28, s8, $0xb8;
	[tilespmem:$0x11000] =	vst v63  }
0x32: {  	s28 =	simm.s32 $0x780;
	s29 =	simm.s32 $0x8800  }
0x33: {  	[tilespmem:s29], [sflag:$0x1] =	stream.indirect.gather [hbm4b:s3+s8], $0x10, s28, s8, $0xb8;
	[tilespmem:$0x11000] =	vst v63  }
0x34: {  	s28 =	simm.s32 $0x800;
	s29 =	simm.s32 $0x9000  }
0x35: {  	[tilespmem:s29], [sflag:$0x1] =	stream.indirect.gather [hbm4b:s3+s8], $0x10, s28, s8, $0xb8;
	[tilespmem:$0x11000] =	vst v63  }
0x36: {  	s28 =	simm.s32 $0x880;
	s29 =	simm.s32 $0x9800  }
0x37: {  	[tilespmem:s29], [sflag:$0x1] =	stream.indirect.gather [hbm4b:s3+s8], $0x10, s28, s8, $0xb8;
	[tilespmem:$0x11000] =	vst v63  }
0x38: {  	s28 =	simm.s32 $0x900;
	s29 =	simm.s32 $0xA000  }
0x39: {  	[tilespmem:s29], [sflag:$0x1] =	stream.indirect.gather [hbm4b:s3+s8], $0x10, s28, s8, $0xb8;
	[tilespmem:$0x11000] =	vst v63  }
0x3a: {  	s28 =	simm.s32 $0x980;
	s29 =	simm.s32 $0xA800  }
0x3b: {  	[tilespmem:s29], [sflag:$0x1] =	stream.indirect.gather [hbm4b:s3+s8], $0x10, s28, s8, $0xb8;
	[tilespmem:$0x11000] =	vst v63  }
0x3c: {  	s28 =	simm.s32 $0xA00;
	s29 =	simm.s32 $0xB000  }
0x3d: {  	[tilespmem:s29], [sflag:$0x1] =	stream.indirect.gather [hbm4b:s3+s8], $0x10, s28, s8, $0xb8;
	[tilespmem:$0x11000] =	vst v63  }
0x3e: {  	s28 =	simm.s32 $0xA80;
	s29 =	simm.s32 $0xB800  }
0x3f: {  	[tilespmem:s29], [sflag:$0x1] =	stream.indirect.gather [hbm4b:s3+s8], $0x10, s28, s8, $0xb8;
	[tilespmem:$0x11000] =	vst v63  }
0x40: {  	s28 =	simm.s32 $0xB00;
	s29 =	simm.s32 $0xC000  }
0x41: {  	[tilespmem:s29], [sflag:$0x1] =	stream.indirect.gather [hbm4b:s3+s8], $0x10, s28, s8, $0xb8;
	[tilespmem:$0x11000] =	vst v63  }
0x42: {  	s28 =	simm.s32 $0xB80  }
0x43: {  	[tilespmem:s30], [sflag:$0x1] =	stream.indirect.gather [hbm4b:s3+s8], $0x10, s28, s8, $0xb8;
	[tilespmem:$0x11000] =	vst v63  }
0x44: {  	_ = 	snop  }
0x45: {  	[tilespmem:s0], [sflag:$0x1] =	stream.indirect.gather [hbm4b:s3+s8], $0x10, s31, s8, $0xb8;
	[tilespmem:$0x11000] =	vst v63  }
0x46: {  	_ = 	snop  }
0x47: {  	[tilespmem:s9], [sflag:$0x1] =	stream.indirect.gather [hbm4b:s3+s8], $0x10, s1, s8, $0xb8;
	[tilespmem:$0x11000] =	vst v63  }
0x48: {  	_ = 	snop  }
0x49: {  	[tilespmem:s11], [sflag:$0x1] =	stream.indirect.gather [hbm4b:s3+s8], $0x10, s10, s8, $0xb8;
	[tilespmem:$0x11000] =	vst v63  }
0x4a: {  	_ = 	snop  }
0x4b: {  	[tilespmem:s13], [sflag:$0x1] =	stream.indirect.gather [hbm4b:s3+s8], $0x10, s12, s8, $0xb8;
	[tilespmem:$0x11000] =	vst v63  }
0x4c: {  	_ = 	snop  }
0x4d: {  	[tilespmem:s15], [sflag:$0x1] =	stream.indirect.gather [hbm4b:s3+s8], $0x10, s14, s8, $0xb8;
	[tilespmem:$0x11000] =	vst v63  }
0x4e: {  	_ = 	snop  }
0x4f: {  	[tilespmem:s17], [sflag:$0x1] =	stream.indirect.gather [hbm4b:s3+s8], $0x10, s16, s8, $0xb8;
	[tilespmem:$0x11000] =	vst v63  }
0x50: {  	_ = 	snop  }
0x51: {  	[tilespmem:s19], [sflag:$0x1] =	stream.indirect.gather [hbm4b:s3+s8], $0x10, s18, s8, $0xb8;
	[tilespmem:$0x11000] =	vst v63  }
0x52: {  	_ = 	snop  }
0x53: {  	[tilespmem:s21], [sflag:$0x1] =	stream.indirect.gather [hbm4b:s3+s8], $0x10, s20, s8, $0xb8;
	[tilespmem:$0x11000] =	vst v63  }
0x54: {  	_ =	swait.ge [sflag:s22], $0x800  }
0x55: {  	[sflag:s22] =	ssyncset.done $0x0  }
0x56: {  	s28 =	sadd.s32 $0x0, s6;
	[sflag:s22] =	ssyncadd.s32 $0xFFFFF800  }
0x57: {  	[hbm4b:s28+s23] =	stream.strided.scatter [tilespmem:s26], [sflag:$0x2], $0x800, s8, s23, $0x38;
	[tilespmem:$0x11000] =	vst v63  }
0x58: {  	s28 =	simm.s32 $0x800  }
.LBB2_2:
0x59: {  	_ =	swait.ge [sflag:s22], $0x800;
	p0 =	sne.s32 s28, $0xF800  }
.Ltmp0:
0x5a: {  	(pc) =	sbr.rel @p0 .LBB2_2-.Ltmp0, $4  }
0x5b: {  	_ = 	snop  }
0x5c: {  	s29 =	sadd.s32 s28, s6;
	s26 =	sadd.s32 $0x800, s26;
	[sflag:s22] =	ssyncset.done $0x0  }
0x5d: {  	s28 =	sadd.s32 $0x800, s28;
	[sflag:s22] =	ssyncadd.s32 $0xFFFFF800  }
0x5e: {  	[hbm4b:s29+s23] =	stream.strided.scatter [tilespmem:s26], [sflag:$0x2], $0x800, s8, s23, $0x38;
	[tilespmem:$0x11000] =	vst v63  }
0x5f: {  	_ =	swait.ge [sflag:s24], $0x800  }
0x60: {  	[sflag:s24] =	ssyncset.done $0x0  }
0x61: {  	[sflag:s24] =	ssyncadd.s32 $0xFFFFF800  }
0x62: {  	_ =	swait.ge [sflag:s24], $0x800  }
0x63: {  	[sflag:s24] =	ssyncset.done $0x0  }
0x64: {  	[sflag:s24] =	ssyncadd.s32 $0xFFFFF800  }
0x65: {  	_ =	swait.ge [sflag:s24], $0x800  }
0x66: {  	[sflag:s24] =	ssyncset.done $0x0  }
0x67: {  	[sflag:s24] =	ssyncadd.s32 $0xFFFFF800  }
0x68: {  	_ =	swait.ge [sflag:s24], $0x800  }
0x69: {  	[sflag:s24] =	ssyncset.done $0x0  }
0x6a: {  	[sflag:s24] =	ssyncadd.s32 $0xFFFFF800  }
0x6b: {  	_ =	swait.ge [sflag:s24], $0x800  }
0x6c: {  	[sflag:s24] =	ssyncset.done $0x0  }
0x6d: {  	[sflag:s24] =	ssyncadd.s32 $0xFFFFF800  }
0x6e: {  	_ =	swait.ge [sflag:s24], $0x800  }
0x6f: {  	[sflag:s24] =	ssyncset.done $0x0  }
0x70: {  	[sflag:s24] =	ssyncadd.s32 $0xFFFFF800  }
0x71: {  	_ =	swait.ge [sflag:s24], $0x800  }
0x72: {  	[sflag:s24] =	ssyncset.done $0x0  }
0x73: {  	[sflag:s24] =	ssyncadd.s32 $0xFFFFF800  }
0x74: {  	_ =	swait.ge [sflag:s24], $0x800  }
0x75: {  	[sflag:s24] =	ssyncset.done $0x0  }
0x76: {  	[sflag:s24] =	ssyncadd.s32 $0xFFFFF800  }
0x77: {  	_ =	swait.ge [sflag:s24], $0x800  }
0x78: {  	[sflag:s24] =	ssyncset.done $0x0  }
0x79: {  	[sflag:s24] =	ssyncadd.s32 $0xFFFFF800  }
0x7a: {  	_ =	swait.ge [sflag:s24], $0x800  }
0x7b: {  	[sflag:s24] =	ssyncset.done $0x0  }
0x7c: {  	[sflag:s24] =	ssyncadd.s32 $0xFFFFF800  }
0x7d: {  	_ =	swait.ge [sflag:s24], $0x800  }
0x7e: {  	[sflag:s24] =	ssyncset.done $0x0  }
0x7f: {  	[sflag:s24] =	ssyncadd.s32 $0xFFFFF800  }
0x80: {  	_ =	swait.ge [sflag:s24], $0x800  }
0x81: {  	[sflag:s24] =	ssyncset.done $0x0  }
0x82: {  	[sflag:s24] =	ssyncadd.s32 $0xFFFFF800  }
0x83: {  	_ =	swait.ge [sflag:s24], $0x800  }
0x84: {  	[sflag:s24] =	ssyncset.done $0x0  }
0x85: {  	[sflag:s24] =	ssyncadd.s32 $0xFFFFF800  }
0x86: {  	_ =	swait.ge [sflag:s24], $0x800  }
0x87: {  	[sflag:s24] =	ssyncset.done $0x0  }
0x88: {  	[sflag:s24] =	ssyncadd.s32 $0xFFFFF800  }
0x89: {  	_ =	swait.ge [sflag:s24], $0x800  }
0x8a: {  	[sflag:s24] =	ssyncset.done $0x0  }
0x8b: {  	[sflag:s24] =	ssyncadd.s32 $0xFFFFF800  }
0x8c: {  	_ =	swait.ge [sflag:s24], $0x800  }
0x8d: {  	[sflag:s24] =	ssyncset.done $0x0  }
0x8e: {  	[sflag:s24] =	ssyncadd.s32 $0xFFFFF800  }
0x8f: {  	_ =	swait.ge [sflag:s24], $0x800  }
0x90: {  	[sflag:s24] =	ssyncset.done $0x0  }
0x91: {  	[sflag:s24] =	ssyncadd.s32 $0xFFFFF800  }
0x92: {  	_ =	swait.ge [sflag:s24], $0x800  }
0x93: {  	[sflag:s24] =	ssyncset.done $0x0  }
0x94: {  	[sflag:s24] =	ssyncadd.s32 $0xFFFFF800  }
0x95: {  	_ =	swait.ge [sflag:s24], $0x800  }
0x96: {  	[sflag:s24] =	ssyncset.done $0x0  }
0x97: {  	[sflag:s24] =	ssyncadd.s32 $0xFFFFF800  }
0x98: {  	_ =	swait.ge [sflag:s24], $0x800  }
0x99: {  	[sflag:s24] =	ssyncset.done $0x0  }
0x9a: {  	[sflag:s24] =	ssyncadd.s32 $0xFFFFF800  }
0x9b: {  	_ =	swait.ge [sflag:s24], $0x800  }
0x9c: {  	[sflag:s24] =	ssyncset.done $0x0  }
0x9d: {  	[sflag:s24] =	ssyncadd.s32 $0xFFFFF800  }
0x9e: {  	_ =	swait.ge [sflag:s24], $0x800  }
0x9f: {  	[sflag:s24] =	ssyncset.done $0x0  }
0xa0: {  	[sflag:s24] =	ssyncadd.s32 $0xFFFFF800  }
0xa1: {  	_ =	swait.ge [sflag:s24], $0x800  }
0xa2: {  	[sflag:s24] =	ssyncset.done $0x0  }
0xa3: {  	[sflag:s24] =	ssyncadd.s32 $0xFFFFF800  }
0xa4: {  	_ =	swait.ge [sflag:s24], $0x800  }
0xa5: {  	[sflag:s24] =	ssyncset.done $0x0  }
0xa6: {  	[sflag:s24] =	ssyncadd.s32 $0xFFFFF800  }
0xa7: {  	_ =	swait.ge [sflag:s24], $0x800  }
0xa8: {  	[sflag:s24] =	ssyncset.done $0x0  }
0xa9: {  	[sflag:s24] =	ssyncadd.s32 $0xFFFFF800  }
0xaa: {  	_ =	swait.ge [sflag:s24], $0x800  }
0xab: {  	[sflag:s24] =	ssyncset.done $0x0  }
0xac: {  	[sflag:s24] =	ssyncadd.s32 $0xFFFFF800  }
0xad: {  	_ =	swait.ge [sflag:s24], $0x800  }
0xae: {  	[sflag:s24] =	ssyncset.done $0x0  }
0xaf: {  	[sflag:s24] =	ssyncadd.s32 $0xFFFFF800  }
0xb0: {  	_ =	swait.ge [sflag:s24], $0x800  }
0xb1: {  	[sflag:s24] =	ssyncset.done $0x0  }
0xb2: {  	[sflag:s24] =	ssyncadd.s32 $0xFFFFF800  }
0xb3: {  	_ =	swait.ge [sflag:s24], $0x800  }
0xb4: {  	[sflag:s24] =	ssyncset.done $0x0  }
0xb5: {  	[sflag:s24] =	ssyncadd.s32 $0xFFFFF800  }
0xb6: {  	_ =	swait.ge [sflag:s24], $0x800  }
0xb7: {  	[sflag:s24] =	ssyncset.done $0x0  }
0xb8: {  	s25 =	sadd.s32 $0x1, s25;
	[sflag:s24] =	ssyncadd.s32 $0xFFFFF800  }
0xb9: {  	p0 =	sne.s32 s25, s5;
	_ =	swait.ge [sflag:s24], $0x800  }
.Ltmp1:
0xba: {  	[sflag:s24] =	ssyncset.done $0x0;
	(pc) =	sbr.rel @p0 .LBB2_1-.Ltmp1, $4  }
0xbb: {  	[sflag:s24] =	ssyncadd.s32 $0xFFFFF800  }
0xbc: {  	_ =	swait.ge [sflag:s24], $0x800  }
0xbd: {  	[sflag:s24] =	ssyncset.done $0x0  }
0xbe: {  	[sflag:s24] =	ssyncadd.s32 $0xFFFFF800  }
0xbf: {  	_ =	sfence.sel $0x180000  }
0xc0: {  	[bflag:$0x0] =	sbarrier.arrive $0xFFFF  }
0xc1: {  	_ =	strace $0x9000004A  }
0xc2: {  	s0 =	stileid.u32;
	[bflag:$0x2] =	sbarrier.arrive $0xFFFF  }
0xc3: {  	p0 =	sne.s32 s0, $0x0;
	s0 =	rddreg [dreg:$0x1]  }
0xc4: {  	s0 =	sadd.s32 @!p0 $0x100000, s0  }
0xc5: {  	[sflag:s0] =	ssyncadd.tile.s32 @!p0 $0x1;
	_ =	shalt  }
.Lfunc_end2:
_tile_overlayer_lowered:
.L_overlay_start_2:
0xc6: {  	(tag) =	ssettag $0x2  }
0xc7: {  	s0 =	rddreg [dreg:$0x0];
	s2 =	stileid.u32  }
0xc8: {  	s1 =	rddreg [dreg:$0x1];
	p0 =	sne.s32 s2, $0x0  }
0xc9: {  	s3 =	rddreg [dreg:$0x2];
	[bflag:$0x3] =	sbarrier.arrive $0xFFFF;
	s2 =	simm.s32 @!p0 $0x1C03  }
0xca: {  	[timem:s3], [sflag:s2] =	dma.local @!p0 [hbm:s0], s1  }
0xcb: {  	s0 =	simm.s32 @!p0 $0x3  }
0xcc: {  	_ =	swait.ge @!p0 [sflag:s0], s1  }
0xcd: {  	s1 =	ssub.s32 @!p0 $0x0, s1;
	[sflag:s0] =	ssyncset.done @!p0 $0x0  }
0xce: {  	[sflag:s0] =	ssyncadd.s32 @!p0 s1  }
0xcf: {  	[bflag:$0x3] =	sbarrier.arrive $0xFFFF  }
0xd0: {  	_ =	shalt  }

// kernel: kernel.20.cloned.1.call-start
scs
__scs_entry_jumppad:
0x0: {  	(pc) =	sbr.rel $0x88, $3  }
0x1: {  	(tag) =	ssettag $0x0;
	lr =	simm.s32 $0x1  }
0x2: {  	[smem:$0x3F98] =	sst lr;
	_ =	strace $0xD0000000  }
0x3: {  	_ = 	snop  }
0x4: {  	_ = 	snop  }
0x5: {  	_ = 	snop  }
0x6: {  	_ = 	snop  }
0x7: {  	_ = 	snop  }
__scs_overlays_trampoline_lowered:
0x8: {  	[smem:$0x3FA7] =	sst s0  }
0x9: {  	[smem:$0x3FA8] =	sst s1  }
0xa: {  	[smem:$0x3FA9] =	sst s2  }
0xb: {  	[smem:$0x3FAA] =	sst s3  }
0xc: {  	[smem:$0x3FAB] =	sst s4  }
0xd: {  	[smem:$0x3FAC] =	sst s5  }
0xe: {  	[smem:$0x3FAD] =	sst s6  }
0xf: {  	[smem:$0x3FAE] =	sst s7  }
0x10: {  	[smem:$0x3FAF] =	sst s8  }
0x11: {  	[smem:$0x3FB0] =	sst s9;
	s0 =	simm.s32 @!p0 $0x0  }
0x12: {  	s1 =	sld [smem:$0x3F96];
	s0 =	simm.s32 @p0 $0x1  }
0x13: {  	[smem:$0x3FB1] =	sst s0;
	s0 =	simm.s32 @!p1 $0x0  }
0x14: {  	s2 =	sld [smem:$0x3F95];
	s0 =	simm.s32 @p1 $0x1  }
0x15: {  	[smem:$0x3FB2] =	sst s0;
	s0 =	simm.s32 @!p2 $0x0  }
0x16: {  	s3 =	sld [smem:$0x3FDB];
	s0 =	simm.s32 @p2 $0x1  }
0x17: {  	s4 =	simm.s32 $0x1BF5;
	[smem:$0x3FB4] =	sst s0  }
0x18: {  	s0 =	sld [smem:$0x3F97];
	_ =	swait.ge [sflag:s4], $0x0  }
0x19: {  	s7 =	sld [smem:$0x3F98]  }
0x1a: {  	s8 =	sadd.s32 $0xFFFFE003, lr  }
0x1b: {  	s9 =	sadd.s32 $0xFFFFFEF7, lr;
	s5 =	simm.s32 $0xFFFFFFFF;
	p2 =	slt.u32 s8, $0xFFFFF086  }
0x1c: {  	p1 =	slt.u32 s9, $0xF7A;
	s5 =	simm.s32 @!p2 $0x0  }
0x1d: {  	s5 =	simm.s32 @p1 $0x1;
	p0 =	seq.s32 s7, s2  }
0x1e: {  	s7 =	smul.u32 @!p0 $0xF7A, s2;
	p2 =	seq.s32 @!p0 s5, $0x0  }
0x1f: {  	s9 =	smul.u32 $0xF7A, s1;
	s8 =	simm.s32 @!p0 $0x1BF5;
	p2 =	por !p2, p0  }
0x20: {  	[sflag:s8] =	ssyncset.s32 @!p0 $0xFFFFF086;
	s6 =	sadd.s32 @!p0 s3, s7;
	s7 =	simm.s32 @!p0 $0x108  }
0x21: {  	s3 =	sadd.s32 s3, s9;
	s6 =	sadd.s32 @!p0 $0x88, s6;
	s7 =	simm.s32 @p2 $0x1082  }
0x22: {  	[simem:s7], [sflag:s8] =	dma.local @!p0 [hbm:s6], $0xF7A  }
0x23: {  	s9 =	sor.u32 $0xD0000000, s2;
	s6 =	simm.s32 $0x108;
	_ =	swait.ge @!p0 [sflag:s8], $0x0  }
0x24: {  	s3 =	sadd.s32 $0x88, s3;
	s6 =	simm.s32 @!p1 $0x1082;
	[sflag:s4] =	ssyncset.s32 $0xFFFFF086  }
0x25: {  	[simem:s6], [sflag:s4] =	dma.local [hbm:s3], $0xF7A  }
0x26: {  	[smem:$0x3F98] =	sst s1;
	(tag) =	ssettag s2;
	_ =	strace s9  }
0x27: {  	s1 =	sld [smem:$0x3FA8]  }
0x28: {  	s2 =	sld [smem:$0x3FA9]  }
0x29: {  	s4 =	sld [smem:$0x3FAB]  }
0x2a: {  	p0 =	seq.s32 s5, $0x0;
	s5 =	sld [smem:$0x3FAC]  }
0x2b: {  	s6 =	sld [smem:$0x3FAD]  }
0x2c: {  	s7 =	sld [smem:$0x3FAE]  }
0x2d: {  	s3 =	simm.s32 $0x108;
	s8 =	sld [smem:$0x3FAF]  }
0x2e: {  	s3 =	simm.s32 @!p0 $0x1082;
	s9 =	sld [smem:$0x3FB0]  }
0x2f: {  	lr =	sadd.s32 s0, s3;
	s0 =	sld [smem:$0x3FA7]  }
0x30: {  	s3 =	sld [smem:$0x3FAA]  }
0x31: {  	[smem:$0x3FB3] =	sst s10  }
0x32: {  	s10 =	sld [smem:$0x3FB1];
	_ =	sdelay $0x3  }
0x33: {  	p0 =	seq.s32 s10, $0x1;
	s10 =	sld [smem:$0x3FB3];
	_ =	sdelay $0x3  }
0x34: {  	[smem:$0x3FB3] =	sst s10  }
0x35: {  	s10 =	sld [smem:$0x3FB2];
	_ =	sdelay $0x3  }
0x36: {  	p1 =	seq.s32 s10, $0x1;
	s10 =	sld [smem:$0x3FB3];
	_ =	sdelay $0x3  }
0x37: {  	[smem:$0x3FB3] =	sst s10  }
0x38: {  	s10 =	sld [smem:$0x3FB4]  }
0x39: {  	_ = 	snop;
	(pc) =	sbr.ind lr, $3  }
0x3a: {  	_ = 	snop  }
0x3b: {  	_ = 	snop  }
0x3c: {  	p2 =	seq.s32 s10, $0x1;
	s10 =	sld [smem:$0x3FB3]  }
0x3d: {  	_ =	shalt  }
0x3e: {  	_ =	shalt  }
0x3f: {  	_ =	shalt  }
0x40: {  	_ =	shalt  }
0x41: {  	_ =	shalt  }
0x42: {  	_ =	shalt  }
0x43: {  	_ =	shalt  }
0x44: {  	_ =	shalt  }
0x45: {  	_ =	shalt  }
0x46: {  	_ =	shalt  }
0x47: {  	_ =	shalt  }
0x48: {  	_ =	shalt  }
0x49: {  	_ =	shalt  }
0x4a: {  	_ =	shalt  }
0x4b: {  	_ =	shalt  }
0x4c: {  	_ =	shalt  }
0x4d: {  	_ =	shalt  }
0x4e: {  	_ =	shalt  }
0x4f: {  	_ =	shalt  }
0x50: {  	_ =	shalt  }
0x51: {  	_ =	shalt  }
0x52: {  	_ =	shalt  }
0x53: {  	_ =	shalt  }
0x54: {  	_ =	shalt  }
0x55: {  	_ =	shalt  }
0x56: {  	_ =	shalt  }
0x57: {  	_ =	shalt  }
0x58: {  	_ =	shalt  }
0x59: {  	_ =	shalt  }
0x5a: {  	_ =	shalt  }
0x5b: {  	_ =	shalt  }
0x5c: {  	_ =	shalt  }
0x5d: {  	_ =	shalt  }
0x5e: {  	_ =	shalt  }
0x5f: {  	_ =	shalt  }
0x60: {  	_ =	shalt  }
0x61: {  	_ =	shalt  }
0x62: {  	_ =	shalt  }
0x63: {  	_ =	shalt  }
0x64: {  	_ =	shalt  }
0x65: {  	_ =	shalt  }
0x66: {  	_ =	shalt  }
0x67: {  	_ =	shalt  }
0x68: {  	_ =	shalt  }
0x69: {  	_ =	shalt  }
0x6a: {  	_ =	shalt  }
0x6b: {  	_ =	shalt  }
0x6c: {  	_ =	shalt  }
0x6d: {  	_ =	shalt  }
0x6e: {  	_ =	shalt  }
0x6f: {  	_ =	shalt  }
0x70: {  	_ =	shalt  }
0x71: {  	_ =	shalt  }
0x72: {  	_ =	shalt  }
0x73: {  	_ =	shalt  }
0x74: {  	_ =	shalt  }
0x75: {  	_ =	shalt  }
0x76: {  	_ =	shalt  }
0x77: {  	_ =	shalt  }
0x78: {  	_ =	shalt  }
0x79: {  	_ =	shalt  }
0x7a: {  	_ =	shalt  }
0x7b: {  	_ =	shalt  }
0x7c: {  	_ =	shalt  }
0x7d: {  	_ =	shalt  }
0x7e: {  	_ =	shalt  }
0x7f: {  	_ =	shalt  }
0x80: {  	_ =	shalt  }
0x81: {  	_ =	shalt  }
0x82: {  	_ =	shalt  }
0x83: {  	_ =	shalt  }
0x84: {  	_ =	shalt  }
0x85: {  	_ =	shalt  }
0x86: {  	_ =	shalt  }
0x87: {  	_ =	shalt  }
.Lfunc_end0:
.L_simem_size_0:
called_computation.3_lowered:
.L_overlay_start_0:
0x88: {  	s2 =	sld [smem:$0x3FD9]  }
0x89: {  	s3 =	sld [smem:$0x3FFE];
	_ =	sdelay $0x1  }
0x8a: {  	s1 =	srdreg.scid  }
0x8b: {  	s0 =	sand.u32 $0x1, s1  }
0x8c: {  	s17 =	sshll.u32 s0, $0xA;
	s2 =	sadd.s32 s3, s2  }
0x8d: {  	s2 =	sadd.s32 s2, s17  }
0x8e: {  	[smem:$0x3FBF] =	sst s2  }
0x8f: {  	_ = 	snop  }
0x90: {  	(tm) =	ssettm $0x1  }
0x91: {  	s18 =	sld [smem:$0x3FFB];
	_ =	sdelay $0x3  }
0x92: {  	_ =	strace s18  }
0x93: {  	s2 =	sld [smem:$0x3FFC];
	_ =	sdelay $0x3  }
0x94: {  	_ =	strace s2  }
0x95: {  	s2 =	sld [smem:$0x3FFD];
	_ =	sdelay $0x3  }
0x96: {  	_ =	strace s2  }
0x97: {  	_ =	strace $0x8FFFFFFF  }
0x98: {  	s19 =	sld [smem:$0x3FDB];
	_ =	sdelay $0x1  }
0x99: {  	s20 =	simm.s32 $_scs_section_size  }
0x9a: {  	s4 =	simm.s32 $_size__tile_overlayer_lowered;
	s5 =	simm.s32 $_tile_overlayer_lowered  }
0x9b: {  	s6 =	simm.s32 $0x1BFF;
	s21 =	sshll.u32 s5, $0x1;
	s3 =	sadd.s32 s20, s19  }
0x9c: {  	s22 =	simm.s32 $0x0;
	s4 =	sshll.u32 s4, $0x1;
	s5 =	sadd.s32 s21, s3  }
0x9d: {  	[timem:s22], [sflag:s6] =	dma.local [hbm:s5], s4  }
0x9e: {  	_ =	swait.ge [sflag:s6], s4  }
0x9f: {  	s4 =	ssub.s32 $0x0, s4;
	[sflag:s6] =	ssyncset.done $0x0  }
0xa0: {  	[sflag:s6] =	ssyncadd.s32 s4;
	_ =	sdelay $0x1  }
0xa1: {  	s23 =	simm.s32 $0x1B8B  }
0xa2: {  	_ =	swait.ge [sflag:s23], $0x1  }
0xa3: {  	[sflag:s23] =	ssyncset.done $0x0  }
0xa4: {  	[sflag:s23] =	ssyncadd.s32 $0xFFFFFFFF  }
0xa5: {  	s4 =	sld [smem:$0x0]  }
0xa6: {  	s5 =	sand.u32 $0xFFFFFFFE, s1  }
0xa7: {  	p0 =	sne.s32 s1, s5  }
0xa8: {  	s5 =	sshll.u32 @p0 s5, $0xE  }
0xa9: {  	s5 =	sadd.s32 @p0 $0x11B8D, s5;
	s6 =	sshll.u32 @p0 s4, $0x11  }
0xaa: {  	s5 =	sor.u32 @p0 s6, s5  }
0xab: {  	[sflag:s5] =	ssyncadd.remote.s32 @p0 $0x1;
	_ =	sdelay $0x1  }
0xac: {  	s5 =	simm.s32 @p0 $0x1B8D  }
0xad: {  	_ =	swait.eq @p0 [sflag:s5], $0x1  }
0xae: {  	[sflag:s5] =	ssyncadd.s32 @p0 $0xFFFFFFFF  }
0xaf: {  	s6 =	sshll.u32 @!p0 s1, $0xE  }
0xb0: {  	s6 =	sor.u32 @!p0 $0x4000, s6;
	s5 =	simm.s32 @!p0 $0x1B8D  }
0xb1: {  	s4 =	sshll.u32 @!p0 s4, $0x11;
	s6 =	sadd.s32 @!p0 $0x11B8D, s6;
	_ =	swait.eq @!p0 [sflag:s5], $0x1  }
0xb2: {  	s4 =	sor.u32 @!p0 s4, s6;
	[sflag:s5] =	ssyncadd.s32 @!p0 $0xFFFFFFFF  }
0xb3: {  	s25 =	simm.s32 $0x1B8E;
	s24 =	sld [smem:$0x3FFE];
	[sflag:s4] =	ssyncadd.remote.s32 @!p0 $0x1  }
0xb4: {  	s26 =	simm.s32 $execute0_lowered;
	[smem:$0x3FD2] =	sst s25  }
0xb5: {  	s5 =	sshll.u32 s26, $0x1;
	_ =	strace $0x8000004C;
	[dreg:$0x1] =	wrdreg $0xFFFFFFFF  }
0xb6: {  	s28 =	simm.s32 $_size_execute0_lowered;
	s3 =	sadd.s32 s3, s5;
	[dreg:$0x0] =	wrdreg $0x0  }
0xb7: {  	s5 =	sshll.u32 s28, $0x1;
	[dreg:$0x2] =	wrdreg s3  }
0xb8: {  	[dreg:$0x3] =	wrdreg s5  }
0xb9: {  	[dreg:$0x4] =	wrdreg $0xC0  }
0xba: {  	_ =	task [dreg:s22], $0x5FFFF  }
0xbb: {  	[dreg:$0x1] =	wrdreg $0xFFFFFFFF  }
0xbc: {  	[dreg:$0x0] =	wrdreg $0x60  }
0xbd: {  	[dreg:$0x2] =	wrdreg s24  }
0xbe: {  	[dreg:$0x3] =	wrdreg $0xC  }
0xbf: {  	_ =	task.clear_ibuf [dreg:s22], $0x4FFFF;
	_ =	strace $0x9000004C  }
0xc0: {  	s29 =	simm.s32 $0xC;
	_ =	strace $0x8000004E  }
0xc1: {  	_ =	swait.ge [sflag:s29], $0x1  }
0xc2: {  	[sflag:s29] =	ssyncadd.s32 $0xFFFFFFFF  }
0xc3: {  	_ =	strace $0x9000004E  }
0xc4: {  	_ =	sfence  }
0xc5: {  	s30 =	sld [smem:$0x0];
	_ =	sdelay $0x2  }
0xc6: {  	s31 =	sshll.u32 s1, $0xD;
	s1 =	sshrl.u32 s1, $0x2  }
0xc7: {  	s4 =	sand.u32 $0x4000, s31;
	s1 =	sadd.s32 s1, s30  }
0xc8: {  	s0 =	sor.u32 s4, s0;
	s1 =	sshll.u32 s1, $0x11  }
0xc9: {  	s0 =	sor.u32 s1, s0  }
0xca: {  	s0 =	sadd.s32 $0x8F2B, s0  }
0xcb: {  	[sflag:s0] =	ssyncadd.remote.s32 $0x1  }
0xcc: {  	_ =	sfence.sel $0xFFFF  }
0xcd: {  	[dreg:$0x0] =	wrdreg $0xFFFFFFFF;
	(pc) =	sbr.abs _section_cstart, $3  }
0xce: {  	[dreg:$0x1] =	wrdreg $0xFFFFFFFF  }
0xcf: {  	_ =	task.clear_ibuf [dreg:s22], $0x2FFFF;
	_ =	strace $0x9FFFFFFF  }
0xd0: {  	(tm) =	ssettm $0x7FFFFFFF  }
0xd1: {  	_ =	shalt  }
tec
execute0_lowered:
.L_overlay_start_1:
0x0: {  	(tag) =	ssettag $0x1  }
0x1: {  	s0 =	rddreg [dreg:$0x0];
	s1 =	srdreg.scid  }
0x2: {  	s2 =	simm.s32 $0x0;
	s6 =	stileid.u32;
	s7 =	simm.s32 $0x3  }
0x3: {  	s8 =	simm.s32 $0x80;
	s30 =	simm.s32 $0xC800;
	s31 =	simm.s32 $0xC00  }
0x4: {  	s9 =	simm.s32 $0xD800;
	s10 =	simm.s32 $0xD00;
	s11 =	simm.s32 $0xE000  }
0x5: {  	s12 =	simm.s32 $0xD80;
	s13 =	simm.s32 $0xE800;
	s14 =	simm.s32 $0xE00  }
0x6: {  	s15 =	simm.s32 $0xF000;
	s16 =	simm.s32 $0xE80;
	s17 =	simm.s32 $0xF800  }
0x7: {  	s18 =	simm.s32 $0xF00;
	s19 =	simm.s32 $0x10000;
	s20 =	simm.s32 $0xF80  }
0x8: {  	s21 =	simm.s32 $0x10800;
	s22 =	simm.s32 $0x1;
	s23 =	simm.s32 $0x10  }
0x9: {  	s24 =	simm.s32 $0x2;
	s25 =	simm.s32 $0x0;
	s1 =	sand.u32 $0x1, s1  }
0xa: {  	[smem:$0x7FF] =	sst s2;
	s3 =	sshll.u32 s6, $0x6;
	s4 =	sshll.u32 s1, $0x5  }
0xb: {  	s6 =	sand.u32 $0xE, s6;
	_ =	strace $0x8000004D;
	s4 =	sor.u32 s4, s3  }
0xc: {  	s1 =	ssub.s32 $0x2, s1;
	s5 =	sshll.u32 s4, $0x4;
	s4 =	sshll.u32 s4, $0xB  }
0xd: {  	s3 =	sadd.s32 $0x3AC800, s0;
	s29 =	sshrl.u32 s1, $0x1;
	s4 =	sand.u32 $0x30000, s4  }
0xe: {  	s1 =	ssub.s32 s1, s29;
	s5 =	sadd.s32 s5, s0;
	s0 =	sadd.s32 s4, s0  }
0xf: {  	s4 =	sadd.s32 $0x17000, s5;
	s5 =	smax.u32 s1, $0x1;
	s0 =	sadd.s32 s6, s0  }
0x10: {  	s1 =	simm.s32 $0xC80;
	s6 =	sadd.s32 $0x533400, s0;
	s0 =	simm.s32 $0xD000  }
.LBB2_1:
0x11: {  	[tilespmem:s2], [sflag:$0x3] =	stream.linear.gather [hbm4b:s4+s2], $0x1000, $0x38;
	[tilespmem:$0x11000] =	vst v63  }
0x12: {  	_ =	swait.ge [sflag:s7], $0x1000  }
0x13: {  	[sflag:s7] =	ssyncset.done $0x0  }
0x14: {  	s26 =	simm.s32 $0x1000;
	[sflag:s7] =	ssyncadd.s32 $0xFFFFF000  }
0x15: {  	[tilespmem:s26], [sflag:$0x1] =	stream.indirect.gather [hbm4b:s3+s8], $0x10, s2, s8, $0xb8;
	[tilespmem:$0x11000] =	vst v63  }
0x16: {  	s28 =	simm.s32 $0x1800  }
0x17: {  	[tilespmem:s28], [sflag:$0x1] =	stream.indirect.gather [hbm4b:s3+s8], $0x10, s8, s8, $0xb8;
	[tilespmem:$0x11000] =	vst v63  }
0x18: {  	s29 =	simm.s32 $0x2000;
	s28 =	simm.s32 $0x100  }
0x19: {  	[tilespmem:s29], [sflag:$0x1] =	stream.indirect.gather [hbm4b:s3+s8], $0x10, s28, s8, $0xb8;
	[tilespmem:$0x11000] =	vst v63  }
0x1a: {  	s28 =	simm.s32 $0x180;
	s29 =	simm.s32 $0x2800  }
0x1b: {  	[tilespmem:s29], [sflag:$0x1] =	stream.indirect.gather [hbm4b:s3+s8], $0x10, s28, s8, $0xb8;
	[tilespmem:$0x11000] =	vst v63  }
0x1c: {  	s28 =	simm.s32 $0x200;
	s29 =	simm.s32 $0x3000  }
0x1d: {  	[tilespmem:s29], [sflag:$0x1] =	stream.indirect.gather [hbm4b:s3+s8], $0x10, s28, s8, $0xb8;
	[tilespmem:$0x11000] =	vst v63  }
0x1e: {  	s28 =	simm.s32 $0x280;
	s29 =	simm.s32 $0x3800  }
0x1f: {  	[tilespmem:s29], [sflag:$0x1] =	stream.indirect.gather [hbm4b:s3+s8], $0x10, s28, s8, $0xb8;
	[tilespmem:$0x11000] =	vst v63  }
0x20: {  	s28 =	simm.s32 $0x300;
	s29 =	simm.s32 $0x4000  }
0x21: {  	[tilespmem:s29], [sflag:$0x1] =	stream.indirect.gather [hbm4b:s3+s8], $0x10, s28, s8, $0xb8;
	[tilespmem:$0x11000] =	vst v63  }
0x22: {  	s28 =	simm.s32 $0x380;
	s29 =	simm.s32 $0x4800  }
0x23: {  	[tilespmem:s29], [sflag:$0x1] =	stream.indirect.gather [hbm4b:s3+s8], $0x10, s28, s8, $0xb8;
	[tilespmem:$0x11000] =	vst v63  }
0x24: {  	s28 =	simm.s32 $0x400;
	s29 =	simm.s32 $0x5000  }
0x25: {  	[tilespmem:s29], [sflag:$0x1] =	stream.indirect.gather [hbm4b:s3+s8], $0x10, s28, s8, $0xb8;
	[tilespmem:$0x11000] =	vst v63  }
0x26: {  	s28 =	simm.s32 $0x480;
	s29 =	simm.s32 $0x5800  }
0x27: {  	[tilespmem:s29], [sflag:$0x1] =	stream.indirect.gather [hbm4b:s3+s8], $0x10, s28, s8, $0xb8;
	[tilespmem:$0x11000] =	vst v63  }
0x28: {  	s28 =	simm.s32 $0x500;
	s29 =	simm.s32 $0x6000  }
0x29: {  	[tilespmem:s29], [sflag:$0x1] =	stream.indirect.gather [hbm4b:s3+s8], $0x10, s28, s8, $0xb8;
	[tilespmem:$0x11000] =	vst v63  }
0x2a: {  	s28 =	simm.s32 $0x580;
	s29 =	simm.s32 $0x6800  }
0x2b: {  	[tilespmem:s29], [sflag:$0x1] =	stream.indirect.gather [hbm4b:s3+s8], $0x10, s28, s8, $0xb8;
	[tilespmem:$0x11000] =	vst v63  }
0x2c: {  	s28 =	simm.s32 $0x600;
	s29 =	simm.s32 $0x7000  }
0x2d: {  	[tilespmem:s29], [sflag:$0x1] =	stream.indirect.gather [hbm4b:s3+s8], $0x10, s28, s8, $0xb8;
	[tilespmem:$0x11000] =	vst v63  }
0x2e: {  	s28 =	simm.s32 $0x680;
	s29 =	simm.s32 $0x7800  }
0x2f: {  	[tilespmem:s29], [sflag:$0x1] =	stream.indirect.gather [hbm4b:s3+s8], $0x10, s28, s8, $0xb8;
	[tilespmem:$0x11000] =	vst v63  }
0x30: {  	s28 =	simm.s32 $0x700;
	s29 =	simm.s32 $0x8000  }
0x31: {  	[tilespmem:s29], [sflag:$0x1] =	stream.indirect.gather [hbm4b:s3+s8], $0x10, s28, s8, $0xb8;
	[tilespmem:$0x11000] =	vst v63  }
0x32: {  	s28 =	simm.s32 $0x780;
	s29 =	simm.s32 $0x8800  }
0x33: {  	[tilespmem:s29], [sflag:$0x1] =	stream.indirect.gather [hbm4b:s3+s8], $0x10, s28, s8, $0xb8;
	[tilespmem:$0x11000] =	vst v63  }
0x34: {  	s28 =	simm.s32 $0x800;
	s29 =	simm.s32 $0x9000  }
0x35: {  	[tilespmem:s29], [sflag:$0x1] =	stream.indirect.gather [hbm4b:s3+s8], $0x10, s28, s8, $0xb8;
	[tilespmem:$0x11000] =	vst v63  }
0x36: {  	s28 =	simm.s32 $0x880;
	s29 =	simm.s32 $0x9800  }
0x37: {  	[tilespmem:s29], [sflag:$0x1] =	stream.indirect.gather [hbm4b:s3+s8], $0x10, s28, s8, $0xb8;
	[tilespmem:$0x11000] =	vst v63  }
0x38: {  	s28 =	simm.s32 $0x900;
	s29 =	simm.s32 $0xA000  }
0x39: {  	[tilespmem:s29], [sflag:$0x1] =	stream.indirect.gather [hbm4b:s3+s8], $0x10, s28, s8, $0xb8;
	[tilespmem:$0x11000] =	vst v63  }
0x3a: {  	s28 =	simm.s32 $0x980;
	s29 =	simm.s32 $0xA800  }
0x3b: {  	[tilespmem:s29], [sflag:$0x1] =	stream.indirect.gather [hbm4b:s3+s8], $0x10, s28, s8, $0xb8;
	[tilespmem:$0x11000] =	vst v63  }
0x3c: {  	s28 =	simm.s32 $0xA00;
	s29 =	simm.s32 $0xB000  }
0x3d: {  	[tilespmem:s29], [sflag:$0x1] =	stream.indirect.gather [hbm4b:s3+s8], $0x10, s28, s8, $0xb8;
	[tilespmem:$0x11000] =	vst v63  }
0x3e: {  	s28 =	simm.s32 $0xA80;
	s29 =	simm.s32 $0xB800  }
0x3f: {  	[tilespmem:s29], [sflag:$0x1] =	stream.indirect.gather [hbm4b:s3+s8], $0x10, s28, s8, $0xb8;
	[tilespmem:$0x11000] =	vst v63  }
0x40: {  	s28 =	simm.s32 $0xB00;
	s29 =	simm.s32 $0xC000  }
0x41: {  	[tilespmem:s29], [sflag:$0x1] =	stream.indirect.gather [hbm4b:s3+s8], $0x10, s28, s8, $0xb8;
	[tilespmem:$0x11000] =	vst v63  }
0x42: {  	s28 =	simm.s32 $0xB80  }
0x43: {  	[tilespmem:s30], [sflag:$0x1] =	stream.indirect.gather [hbm4b:s3+s8], $0x10, s28, s8, $0xb8;
	[tilespmem:$0x11000] =	vst v63  }
0x44: {  	_ = 	snop  }
0x45: {  	[tilespmem:s0], [sflag:$0x1] =	stream.indirect.gather [hbm4b:s3+s8], $0x10, s31, s8, $0xb8;
	[tilespmem:$0x11000] =	vst v63  }
0x46: {  	_ = 	snop  }
0x47: {  	[tilespmem:s9], [sflag:$0x1] =	stream.indirect.gather [hbm4b:s3+s8], $0x10, s1, s8, $0xb8;
	[tilespmem:$0x11000] =	vst v63  }
0x48: {  	_ = 	snop  }
0x49: {  	[tilespmem:s11], [sflag:$0x1] =	stream.indirect.gather [hbm4b:s3+s8], $0x10, s10, s8, $0xb8;
	[tilespmem:$0x11000] =	vst v63  }
0x4a: {  	_ = 	snop  }
0x4b: {  	[tilespmem:s13], [sflag:$0x1] =	stream.indirect.gather [hbm4b:s3+s8], $0x10, s12, s8, $0xb8;
	[tilespmem:$0x11000] =	vst v63  }
0x4c: {  	_ = 	snop  }
0x4d: {  	[tilespmem:s15], [sflag:$0x1] =	stream.indirect.gather [hbm4b:s3+s8], $0x10, s14, s8, $0xb8;
	[tilespmem:$0x11000] =	vst v63  }
0x4e: {  	_ = 	snop  }
0x4f: {  	[tilespmem:s17], [sflag:$0x1] =	stream.indirect.gather [hbm4b:s3+s8], $0x10, s16, s8, $0xb8;
	[tilespmem:$0x11000] =	vst v63  }
0x50: {  	_ = 	snop  }
0x51: {  	[tilespmem:s19], [sflag:$0x1] =	stream.indirect.gather [hbm4b:s3+s8], $0x10, s18, s8, $0xb8;
	[tilespmem:$0x11000] =	vst v63  }
0x52: {  	_ = 	snop  }
0x53: {  	[tilespmem:s21], [sflag:$0x1] =	stream.indirect.gather [hbm4b:s3+s8], $0x10, s20, s8, $0xb8;
	[tilespmem:$0x11000] =	vst v63  }
0x54: {  	_ =	swait.ge [sflag:s22], $0x800  }
0x55: {  	[sflag:s22] =	ssyncset.done $0x0  }
0x56: {  	s28 =	sadd.s32 $0x0, s6;
	[sflag:s22] =	ssyncadd.s32 $0xFFFFF800  }
0x57: {  	[hbm4b:s28+s23] =	stream.strided.scatter [tilespmem:s26], [sflag:$0x2], $0x800, s8, s23, $0x38;
	[tilespmem:$0x11000] =	vst v63  }
0x58: {  	s28 =	simm.s32 $0x800  }
.LBB2_2:
0x59: {  	_ =	swait.ge [sflag:s22], $0x800;
	p0 =	sne.s32 s28, $0xF800  }
.Ltmp0:
0x5a: {  	(pc) =	sbr.rel @p0 .LBB2_2-.Ltmp0, $4  }
0x5b: {  	_ = 	snop  }
0x5c: {  	s29 =	sadd.s32 s28, s6;
	s26 =	sadd.s32 $0x800, s26;
	[sflag:s22] =	ssyncset.done $0x0  }
0x5d: {  	s28 =	sadd.s32 $0x800, s28;
	[sflag:s22] =	ssyncadd.s32 $0xFFFFF800  }
0x5e: {  	[hbm4b:s29+s23] =	stream.strided.scatter [tilespmem:s26], [sflag:$0x2], $0x800, s8, s23, $0x38;
	[tilespmem:$0x11000] =	vst v63  }
0x5f: {  	_ =	swait.ge [sflag:s24], $0x800  }
0x60: {  	[sflag:s24] =	ssyncset.done $0x0  }
0x61: {  	[sflag:s24] =	ssyncadd.s32 $0xFFFFF800  }
0x62: {  	_ =	swait.ge [sflag:s24], $0x800  }
0x63: {  	[sflag:s24] =	ssyncset.done $0x0  }
0x64: {  	[sflag:s24] =	ssyncadd.s32 $0xFFFFF800  }
0x65: {  	_ =	swait.ge [sflag:s24], $0x800  }
0x66: {  	[sflag:s24] =	ssyncset.done $0x0  }
0x67: {  	[sflag:s24] =	ssyncadd.s32 $0xFFFFF800  }
0x68: {  	_ =	swait.ge [sflag:s24], $0x800  }
0x69: {  	[sflag:s24] =	ssyncset.done $0x0  }
0x6a: {  	[sflag:s24] =	ssyncadd.s32 $0xFFFFF800  }
0x6b: {  	_ =	swait.ge [sflag:s24], $0x800  }
0x6c: {  	[sflag:s24] =	ssyncset.done $0x0  }
0x6d: {  	[sflag:s24] =	ssyncadd.s32 $0xFFFFF800  }
0x6e: {  	_ =	swait.ge [sflag:s24], $0x800  }
0x6f: {  	[sflag:s24] =	ssyncset.done $0x0  }
0x70: {  	[sflag:s24] =	ssyncadd.s32 $0xFFFFF800  }
0x71: {  	_ =	swait.ge [sflag:s24], $0x800  }
0x72: {  	[sflag:s24] =	ssyncset.done $0x0  }
0x73: {  	[sflag:s24] =	ssyncadd.s32 $0xFFFFF800  }
0x74: {  	_ =	swait.ge [sflag:s24], $0x800  }
0x75: {  	[sflag:s24] =	ssyncset.done $0x0  }
0x76: {  	[sflag:s24] =	ssyncadd.s32 $0xFFFFF800  }
0x77: {  	_ =	swait.ge [sflag:s24], $0x800  }
0x78: {  	[sflag:s24] =	ssyncset.done $0x0  }
0x79: {  	[sflag:s24] =	ssyncadd.s32 $0xFFFFF800  }
0x7a: {  	_ =	swait.ge [sflag:s24], $0x800  }
0x7b: {  	[sflag:s24] =	ssyncset.done $0x0  }
0x7c: {  	[sflag:s24] =	ssyncadd.s32 $0xFFFFF800  }
0x7d: {  	_ =	swait.ge [sflag:s24], $0x800  }
0x7e: {  	[sflag:s24] =	ssyncset.done $0x0  }
0x7f: {  	[sflag:s24] =	ssyncadd.s32 $0xFFFFF800  }
0x80: {  	_ =	swait.ge [sflag:s24], $0x800  }
0x81: {  	[sflag:s24] =	ssyncset.done $0x0  }
0x82: {  	[sflag:s24] =	ssyncadd.s32 $0xFFFFF800  }
0x83: {  	_ =	swait.ge [sflag:s24], $0x800  }
0x84: {  	[sflag:s24] =	ssyncset.done $0x0  }
0x85: {  	[sflag:s24] =	ssyncadd.s32 $0xFFFFF800  }
0x86: {  	_ =	swait.ge [sflag:s24], $0x800  }
0x87: {  	[sflag:s24] =	ssyncset.done $0x0  }
0x88: {  	[sflag:s24] =	ssyncadd.s32 $0xFFFFF800  }
0x89: {  	_ =	swait.ge [sflag:s24], $0x800  }
0x8a: {  	[sflag:s24] =	ssyncset.done $0x0  }
0x8b: {  	[sflag:s24] =	ssyncadd.s32 $0xFFFFF800  }
0x8c: {  	_ =	swait.ge [sflag:s24], $0x800  }
0x8d: {  	[sflag:s24] =	ssyncset.done $0x0  }
0x8e: {  	[sflag:s24] =	ssyncadd.s32 $0xFFFFF800  }
0x8f: {  	_ =	swait.ge [sflag:s24], $0x800  }
0x90: {  	[sflag:s24] =	ssyncset.done $0x0  }
0x91: {  	[sflag:s24] =	ssyncadd.s32 $0xFFFFF800  }
0x92: {  	_ =	swait.ge [sflag:s24], $0x800  }
0x93: {  	[sflag:s24] =	ssyncset.done $0x0  }
0x94: {  	[sflag:s24] =	ssyncadd.s32 $0xFFFFF800  }
0x95: {  	_ =	swait.ge [sflag:s24], $0x800  }
0x96: {  	[sflag:s24] =	ssyncset.done $0x0  }
0x97: {  	[sflag:s24] =	ssyncadd.s32 $0xFFFFF800  }
0x98: {  	_ =	swait.ge [sflag:s24], $0x800  }
0x99: {  	[sflag:s24] =	ssyncset.done $0x0  }
0x9a: {  	[sflag:s24] =	ssyncadd.s32 $0xFFFFF800  }
0x9b: {  	_ =	swait.ge [sflag:s24], $0x800  }
0x9c: {  	[sflag:s24] =	ssyncset.done $0x0  }
0x9d: {  	[sflag:s24] =	ssyncadd.s32 $0xFFFFF800  }
0x9e: {  	_ =	swait.ge [sflag:s24], $0x800  }
0x9f: {  	[sflag:s24] =	ssyncset.done $0x0  }
0xa0: {  	[sflag:s24] =	ssyncadd.s32 $0xFFFFF800  }
0xa1: {  	_ =	swait.ge [sflag:s24], $0x800  }
0xa2: {  	[sflag:s24] =	ssyncset.done $0x0  }
0xa3: {  	[sflag:s24] =	ssyncadd.s32 $0xFFFFF800  }
0xa4: {  	_ =	swait.ge [sflag:s24], $0x800  }
0xa5: {  	[sflag:s24] =	ssyncset.done $0x0  }
0xa6: {  	[sflag:s24] =	ssyncadd.s32 $0xFFFFF800  }
0xa7: {  	_ =	swait.ge [sflag:s24], $0x800  }
0xa8: {  	[sflag:s24] =	ssyncset.done $0x0  }
0xa9: {  	[sflag:s24] =	ssyncadd.s32 $0xFFFFF800  }
0xaa: {  	_ =	swait.ge [sflag:s24], $0x800  }
0xab: {  	[sflag:s24] =	ssyncset.done $0x0  }
0xac: {  	[sflag:s24] =	ssyncadd.s32 $0xFFFFF800  }
0xad: {  	_ =	swait.ge [sflag:s24], $0x800  }
0xae: {  	[sflag:s24] =	ssyncset.done $0x0  }
0xaf: {  	[sflag:s24] =	ssyncadd.s32 $0xFFFFF800  }
0xb0: {  	_ =	swait.ge [sflag:s24], $0x800  }
0xb1: {  	[sflag:s24] =	ssyncset.done $0x0  }
0xb2: {  	[sflag:s24] =	ssyncadd.s32 $0xFFFFF800  }
0xb3: {  	_ =	swait.ge [sflag:s24], $0x800  }
0xb4: {  	[sflag:s24] =	ssyncset.done $0x0  }
0xb5: {  	[sflag:s24] =	ssyncadd.s32 $0xFFFFF800  }
0xb6: {  	_ =	swait.ge [sflag:s24], $0x800  }
0xb7: {  	[sflag:s24] =	ssyncset.done $0x0  }
0xb8: {  	s25 =	sadd.s32 $0x1, s25;
	[sflag:s24] =	ssyncadd.s32 $0xFFFFF800  }
0xb9: {  	p0 =	sne.s32 s25, s5;
	_ =	swait.ge [sflag:s24], $0x800  }
.Ltmp1:
0xba: {  	[sflag:s24] =	ssyncset.done $0x0;
	(pc) =	sbr.rel @p0 .LBB2_1-.Ltmp1, $4  }
0xbb: {  	[sflag:s24] =	ssyncadd.s32 $0xFFFFF800  }
0xbc: {  	_ =	swait.ge [sflag:s24], $0x800  }
0xbd: {  	[sflag:s24] =	ssyncset.done $0x0  }
0xbe: {  	[sflag:s24] =	ssyncadd.s32 $0xFFFFF800  }
0xbf: {  	_ =	sfence.sel $0x180000  }
0xc0: {  	[bflag:$0x0] =	sbarrier.arrive $0xFFFF  }
0xc1: {  	_ =	strace $0x9000004D  }
0xc2: {  	s0 =	stileid.u32;
	[bflag:$0x2] =	sbarrier.arrive $0xFFFF  }
0xc3: {  	p0 =	sne.s32 s0, $0x0;
	s0 =	rddreg [dreg:$0x1]  }
0xc4: {  	s0 =	sadd.s32 @!p0 $0x100000, s0  }
0xc5: {  	[sflag:s0] =	ssyncadd.tile.s32 @!p0 $0x1;
	_ =	shalt  }
.Lfunc_end2:
_tile_overlayer_lowered:
.L_overlay_start_2:
0xc6: {  	(tag) =	ssettag $0x2  }
0xc7: {  	s0 =	rddreg [dreg:$0x0];
	s2 =	stileid.u32  }
0xc8: {  	s1 =	rddreg [dreg:$0x1];
	p0 =	sne.s32 s2, $0x0  }
0xc9: {  	s3 =	rddreg [dreg:$0x2];
	[bflag:$0x3] =	sbarrier.arrive $0xFFFF;
	s2 =	simm.s32 @!p0 $0x1C03  }
0xca: {  	[timem:s3], [sflag:s2] =	dma.local @!p0 [hbm:s0], s1  }
0xcb: {  	s0 =	simm.s32 @!p0 $0x3  }
0xcc: {  	_ =	swait.ge @!p0 [sflag:s0], s1  }
0xcd: {  	s1 =	ssub.s32 @!p0 $0x0, s1;
	[sflag:s0] =	ssyncset.done @!p0 $0x0  }
0xce: {  	[sflag:s0] =	ssyncadd.s32 @!p0 s1  }
0xcf: {  	[bflag:$0x3] =	sbarrier.arrive $0xFFFF  }
0xd0: {  	_ =	shalt  }

</sc_bundles>
